<compile_context>
chip_gen: v7x
topology: tpu7x:2x2x1
jax: 0.10.2.dev20260603
libtpu: 0.0.44.dev20260713+nightly
codegen_flags: <defaults>
</compile_context>

<pallas_src>
import functools

import jax
import jax.numpy as jnp
from jax import lax
from jax.experimental import pallas as pl
from jax.experimental.pallas import tpu as pltpu
from jax.experimental.pallas import tpu_sc as plsc

D = 128
PADDING_IDX = 2
NC, NS = 2, 16
NW = NC * NS
CHUNK = 128
KPER = 10
SUPER = CHUNK * KPER
NBUF = 5


def _body(n_sp, idx_hbm, tab_hbm, out_hbm, tab_s,
          ib0, ib1, r0, r1, r2, r3, r4,
          g0, g1, g2, g3, g4, s0, s1, s2, s3, s4, i0, i1):
    ibuf = [ib0, ib1]
    rows = [r0, r1, r2, r3, r4]
    gsem = [g0, g1, g2, g3, g4]
    ssem = [s0, s1, s2, s3, s4]
    isem = [i0, i1]
    n_super = n_sp * 2

    sid = lax.axis_index("s")
    wid = sid * NC + lax.axis_index("c")
    base = wid * (n_super * SUPER)

    @pl.when(sid == 0)
    def _():
        pltpu.sync_copy(tab_hbm, tab_s)

    plsc.subcore_barrier()

    def idx_copy(ss, h):
        pltpu.async_copy(idx_hbm.at[pl.ds(base + ss * SUPER, SUPER)],
                         ibuf[h], isem[h])

    def idx_wait(h):
        pltpu.make_async_copy(idx_hbm.at[pl.ds(0, SUPER)], ibuf[h],
                              isem[h]).wait()

    def gather_start(k, h, b):
        pltpu.async_copy(tab_s.at[ibuf[h].at[pl.ds(k * CHUNK, CHUNK)]],
                         rows[b], gsem[b])

    def gather_wait(k, h, b):
        pltpu.make_async_copy(tab_s.at[ibuf[h].at[pl.ds(k * CHUNK, CHUNK)]],
                              rows[b], gsem[b]).wait()

    def store_start(off, b):
        pltpu.async_copy(rows[b], out_hbm.at[pl.ds(off, CHUNK)], ssem[b])

    def store_wait(b):
        pltpu.make_async_copy(rows[b], out_hbm.at[pl.ds(0, CHUNK)],
                              ssem[b]).wait()

    idx_copy(0, 0)
    idx_wait(0)
    gather_start(0, 0, 0)
    gather_start(1, 0, 1)

    def step(sp, carry):
        for h in range(2):
            ss = sp * 2 + h
            for k in range(KPER):
                g = ss * KPER + k
                b = k % NBUF
                b2 = (k + 2) % NBUF
                kn = (k + 2) % KPER
                hn = (h + 1) % 2 if k >= KPER - 2 else h

                if k == 0:
                    if h == 0:
                        idx_copy(ss + 1, 1)
                    else:
                        @pl.when(sp < n_sp - 1)
                        def _():
                            idx_copy(ss + 1, 0)

                if h == 0 and k < 3:
                    @pl.when(sp > 0)
                    def _():
                        store_wait(b2)
                else:
                    store_wait(b2)

                if h == 1 and k >= KPER - 2:
                    @pl.when(sp < n_sp - 1)
                    def _():
                        if k == KPER - 2:
                            idx_wait(hn)
                        gather_start(kn, hn, b2)
                else:
                    if k == KPER - 2:
                        idx_wait(hn)
                    gather_start(kn, hn, b2)

                gather_wait(k, h, b)
                store_start(base + g * CHUNK, b)
        return carry

    lax.fori_loop(0, n_sp, step, 0)

    total = n_super * KPER
    for gg in (total - 3, total - 2, total - 1):
        store_wait(gg % NBUF)


@jax.jit
def _embed(idx_flat, table):
    n = idx_flat.shape[0]
    n_sp = n // (NW * SUPER * 2)
    body = functools.partial(_body, n_sp)
    k = pl.kernel(
        body,
        out_type=jax.ShapeDtypeStruct((n, D), jnp.float32),
        mesh=plsc.VectorSubcoreMesh(core_axis_name="c", subcore_axis_name="s"),
        scratch_types=[
            pltpu.VMEM_SHARED((4, D), jnp.float32),
            pltpu.VMEM((SUPER,), jnp.int32),
            pltpu.VMEM((SUPER,), jnp.int32),
        ] + [pltpu.VMEM((CHUNK, D), jnp.float32)] * NBUF
          + [pltpu.SemaphoreType.DMA] * (2 * NBUF + 2),
    )
    return k(idx_flat, table)


def kernel(inputs, table):
    t = table.at[PADDING_IDX].set(0.0)
    idx_flat = inputs.reshape(-1).astype(jnp.int32)
    out = _embed(idx_flat, t)
    return out.reshape(inputs.shape[0], inputs.shape[1], D)

# --- scband reference (transcript-rebuilt; emitter-appended) ---
"""Pipeline reference for scband-strand-embedding-layer-51049981280691 (READ-ONLY COPY).

The authoritative reference and input builder live on the scoring server;
editing this copy changes nothing except your own understanding.
"""

import jax, jax.numpy as jnp
import numpy as np

EMBEDDING_DIM = 128
NUM_EMBEDDINGS = 4  # 2 strands + padding(2) + mask(3)
PADDING_IDX = 2


def setup_inputs(seed: int = 0) -> dict:
    key = jax.random.key(seed)
    k_idx, k_tab = jax.random.split(key)
    inputs = jax.random.randint(k_idx, (16384, 200), 0, NUM_EMBEDDINGS, dtype=jnp.int64 if jax.config.jax_enable_x64 else jnp.int32)
    table = jax.random.normal(k_tab, (NUM_EMBEDDINGS, EMBEDDING_DIM), dtype=jnp.float32)
    # nn.Embedding with padding_idx zero-initializes that row
    table = table.at[PADDING_IDX].set(0.0)
    return {"inputs": inputs, "table": table}


def reference(inputs, table):
    # range check is a no-op under jit; indices are generated in-range.
    # padding_idx row is forced to zero (faithful to nn.Embedding padding_idx semantics)
    t = table.at[PADDING_IDX].set(0.0)
    embeddings = jnp.take(t, inputs, axis=0)  # (B, L, D)
    return embeddings

if __name__ == "__main__":
    import jax
    _d = setup_inputs()
    print(jax.jit(kernel)(*tuple(_d.values())))

</pallas_src>

<mosaic_0001>
#map = affine_map<(d0, d1) -> (0)>
#map1 = affine_map<(d0, d1) -> (0, 0)>
module attributes {stable_mosaic.version = 14 : i64} {
  func.func @_body(%arg0: i32, %arg1: i32, %arg2: memref<3276800xi32, #tpu.memory_space<hbm>>, %arg3: memref<4x128xf32, #tpu.memory_space<hbm>>, %arg4: memref<3276800x128xf32, #tpu.memory_space<hbm>>, %arg5: memref<4x128xf32, #tpu.memory_space<vmem_shared>>, %arg6: memref<1280xi32, #tpu.memory_space<vmem>>, %arg7: memref<1280xi32, #tpu.memory_space<vmem>>, %arg8: memref<128x128xf32, #tpu.memory_space<vmem>>, %arg9: memref<128x128xf32, #tpu.memory_space<vmem>>, %arg10: memref<128x128xf32, #tpu.memory_space<vmem>>, %arg11: memref<128x128xf32, #tpu.memory_space<vmem>>, %arg12: memref<128x128xf32, #tpu.memory_space<vmem>>, %arg13: memref<!tpu.dma_semaphore, #tpu.memory_space<semaphore_mem>>, %arg14: memref<!tpu.dma_semaphore, #tpu.memory_space<semaphore_mem>>, %arg15: memref<!tpu.dma_semaphore, #tpu.memory_space<semaphore_mem>>, %arg16: memref<!tpu.dma_semaphore, #tpu.memory_space<semaphore_mem>>, %arg17: memref<!tpu.dma_semaphore, #tpu.memory_space<semaphore_mem>>, %arg18: memref<!tpu.dma_semaphore, #tpu.memory_space<semaphore_mem>>, %arg19: memref<!tpu.dma_semaphore, #tpu.memory_space<semaphore_mem>>, %arg20: memref<!tpu.dma_semaphore, #tpu.memory_space<semaphore_mem>>, %arg21: memref<!tpu.dma_semaphore, #tpu.memory_space<semaphore_mem>>, %arg22: memref<!tpu.dma_semaphore, #tpu.memory_space<semaphore_mem>>, %arg23: memref<!tpu.dma_semaphore, #tpu.memory_space<semaphore_mem>>, %arg24: memref<!tpu.dma_semaphore, #tpu.memory_space<semaphore_mem>>) attributes {dimension_semantics = [#tpu.dimension_semantics<core_parallel>, #tpu.dimension_semantics<subcore_parallel>], iteration_bounds = array<i64: 2, 16>, scalar_prefetch = 0 : i64, scratch_operands = 20 : i64, tpu.core_type = #tpu.core_type<sc_vector_subcore>, window_params = [{transform_indices = #map}, {transform_indices = #map1}, {transform_indices = #map1}]} {
    %mul3A = arith.constant 2 : i32
    %mul3A_0 = arith.muli %arg1, %mul3A : i32
    %add3A = arith.addi %mul3A_0, %arg0 : i32
    %mul3A_1 = arith.constant 102400 : i32
    %mul3A_2 = arith.muli %add3A, %mul3A_1 : i32
    %eq3A = arith.constant 0 : i32
    %eq3A_3 = arith.cmpi eq, %arg1, %eq3A : i32
    %convert_element_type3A = arith.extui %eq3A_3 : i1 to i32
    %cond3A = arith.constant 0 : i32
    %cond3A_4 = arith.cmpi ne, %convert_element_type3A, %cond3A : i32
    scf.if %cond3A_4 {
      "tpu.region"() ({
        %run_scoped3A = tpu.sem_alloc : memref<!tpu.dma_semaphore, #tpu.memory_space<semaphore_mem>>
        tpu.enqueue_dma source(%arg3 : memref<4x128xf32, #tpu.memory_space<hbm>>) target(%arg5 : memref<4x128xf32, #tpu.memory_space<vmem_shared>>) target_semaphore(%run_scoped3A : memref<!tpu.dma_semaphore, #tpu.memory_space<semaphore_mem>>)
        tpu.wait_dma2 semaphore(%run_scoped3A : memref<!tpu.dma_semaphore, #tpu.memory_space<semaphore_mem>>) src(%arg3 : memref<4x128xf32, #tpu.memory_space<hbm>>) dst(%arg5 : memref<4x128xf32, #tpu.memory_space<vmem_shared>>)
        tpu.yield
      }) : () -> ()
    } else {
    }
    %barrier3A = arith.constant 0 : index
    tpu.barrier barrier_id(%barrier3A)
    %add3A_5 = arith.constant 0 : i32
    %add3A_6 = arith.addi %mul3A_2, %add3A_5 : i32
    %dma_start3A = tpu.memref_slice %arg2[%add3A_6] : memref<3276800xi32, #tpu.memory_space<hbm>> -> memref<1280xi32, #tpu.memory_space<hbm>>
    %dma_start3A_7 = tpu.memref_slice %arg2[%add3A_6] : memref<3276800xi32, #tpu.memory_space<hbm>> -> memref<1280xi32, #tpu.memory_space<hbm>>
    tpu.enqueue_dma source(%dma_start3A_7 : memref<1280xi32, #tpu.memory_space<hbm>>) target(%arg6 : memref<1280xi32, #tpu.memory_space<vmem>>) target_semaphore(%arg23 : memref<!tpu.dma_semaphore, #tpu.memory_space<semaphore_mem>>)
    %dma_wait3A = arith.constant 0 : i32
    %dma_wait3A_8 = tpu.memref_slice %arg2[%dma_wait3A] : memref<3276800xi32, #tpu.memory_space<hbm>> -> memref<1280xi32, #tpu.memory_space<hbm>>
    %dma_wait3A_9 = arith.constant 0 : i32
    %dma_wait3A_10 = tpu.memref_slice %arg2[%dma_wait3A_9] : memref<3276800xi32, #tpu.memory_space<hbm>> -> memref<1280xi32, #tpu.memory_space<hbm>>
    tpu.wait_dma2 semaphore(%arg23 : memref<!tpu.dma_semaphore, #tpu.memory_space<semaphore_mem>>) src(%dma_wait3A_10 : memref<1280xi32, #tpu.memory_space<hbm>>) dst(%arg6 : memref<1280xi32, #tpu.memory_space<vmem>>)
    %dma_start3A_11 = arith.constant 0 : i32
    %dma_start3A_12 = tpu.memref_slice %arg6[%dma_start3A_11] : memref<1280xi32, #tpu.memory_space<vmem>> -> memref<128xi32, #tpu.memory_space<vmem>>
    %dma_start3A_13 = arith.constant 0 : i32
    %dma_start3A_14 = arith.constant 0 : i32
    %dma_start3A_15 = tpu.memref_slice %arg5[%dma_start3A_13, %dma_start3A_14] : memref<4x128xf32, #tpu.memory_space<vmem_shared>> -> memref<4x128xf32, #tpu.memory_space<vmem_shared>>
    tpu.enqueue_indirect_dma source(%dma_start3A_15 : memref<4x128xf32, #tpu.memory_space<vmem_shared>>) target(%arg8 : memref<128x128xf32, #tpu.memory_space<vmem>>) offsets(%dma_start3A_12 : memref<128xi32, #tpu.memory_space<vmem>>) semaphore(%arg13 : memref<!tpu.dma_semaphore, #tpu.memory_space<semaphore_mem>>)
    %dma_start3A_16 = arith.constant 128 : i32
    %dma_start3A_17 = tpu.memref_slice %arg6[%dma_start3A_16] : memref<1280xi32, #tpu.memory_space<vmem>> -> memref<128xi32, #tpu.memory_space<vmem>>
    %dma_start3A_18 = arith.constant 0 : i32
    %dma_start3A_19 = arith.constant 0 : i32
    %dma_start3A_20 = tpu.memref_slice %arg5[%dma_start3A_18, %dma_start3A_19] : memref<4x128xf32, #tpu.memory_space<vmem_shared>> -> memref<4x128xf32, #tpu.memory_space<vmem_shared>>
    tpu.enqueue_indirect_dma source(%dma_start3A_20 : memref<4x128xf32, #tpu.memory_space<vmem_shared>>) target(%arg9 : memref<128x128xf32, #tpu.memory_space<vmem>>) offsets(%dma_start3A_17 : memref<128xi32, #tpu.memory_space<vmem>>) semaphore(%arg14 : memref<!tpu.dma_semaphore, #tpu.memory_space<semaphore_mem>>)
    %scan3A = arith.constant 0 : i32
    %scan3A_21 = arith.constant 0 : i32
    %scan3A_22 = arith.constant 40 : i32
    %scan3A_23 = arith.addi %scan3A_21, %scan3A_22 : i32
    %scan3A_24 = arith.constant 1 : i32
    scf.for %scan3A_44 = %scan3A_21 to %scan3A_23 step %scan3A_24  : i32 {
      %mul3A_45 = arith.constant 2 : i32
      %mul3A_46 = arith.muli %scan3A_44, %mul3A_45 : i32
      %add3A_47 = arith.constant 0 : i32
      %add3A_48 = arith.addi %mul3A_46, %add3A_47 : i32
      %mul3A_49 = arith.constant 10 : i32
      %mul3A_50 = arith.muli %add3A_48, %mul3A_49 : i32
      %add3A_51 = arith.constant 0 : i32
      %add3A_52 = arith.addi %mul3A_50, %add3A_51 : i32
      %add3A_53 = arith.constant 1 : i32
      %add3A_54 = arith.addi %add3A_48, %add3A_53 : i32
      %mul3A_55 = arith.constant 1280 : i32
      %mul3A_56 = arith.muli %add3A_54, %mul3A_55 : i32
      %add3A_57 = arith.addi %mul3A_2, %mul3A_56 : i32
      %dma_start3A_58 = tpu.memref_slice %arg2[%add3A_57] : memref<3276800xi32, #tpu.memory_space<hbm>> -> memref<1280xi32, #tpu.memory_space<hbm>>
      %dma_start3A_59 = tpu.memref_slice %arg2[%add3A_57] : memref<3276800xi32, #tpu.memory_space<hbm>> -> memref<1280xi32, #tpu.memory_space<hbm>>
      tpu.enqueue_dma source(%dma_start3A_59 : memref<1280xi32, #tpu.memory_space<hbm>>) target(%arg7 : memref<1280xi32, #tpu.memory_space<vmem>>) target_semaphore(%arg24 : memref<!tpu.dma_semaphore, #tpu.memory_space<semaphore_mem>>)
      %gt3A = arith.constant 0 : i32
      %gt3A_60 = arith.cmpi sgt, %scan3A_44, %gt3A : i32
      %convert_element_type3A_61 = arith.extui %gt3A_60 : i1 to i32
      %cond3A_62 = arith.constant 0 : i32
      %cond3A_63 = arith.cmpi ne, %convert_element_type3A_61, %cond3A_62 : i32
      scf.if %cond3A_63 {
        %dma_wait3A_604 = arith.constant 0 : i32
        %dma_wait3A_605 = arith.constant 0 : i32
        %dma_wait3A_606 = tpu.memref_slice %arg4[%dma_wait3A_604, %dma_wait3A_605] : memref<3276800x128xf32, #tpu.memory_space<hbm>> -> memref<128x128xf32, #tpu.memory_space<hbm>>
        %dma_wait3A_607 = arith.constant 0 : i32
        %dma_wait3A_608 = arith.constant 0 : i32
        %dma_wait3A_609 = tpu.memref_slice %arg4[%dma_wait3A_607, %dma_wait3A_608] : memref<3276800x128xf32, #tpu.memory_space<hbm>> -> memref<128x128xf32, #tpu.memory_space<hbm>>
        tpu.wait_dma2 semaphore(%arg20 : memref<!tpu.dma_semaphore, #tpu.memory_space<semaphore_mem>>) src(%arg10 : memref<128x128xf32, #tpu.memory_space<vmem>>) dst(%dma_wait3A_609 : memref<128x128xf32, #tpu.memory_space<hbm>>)
      } else {
      }
      %dma_start3A_64 = arith.constant 256 : i32
      %dma_start3A_65 = tpu.memref_slice %arg6[%dma_start3A_64] : memref<1280xi32, #tpu.memory_space<vmem>> -> memref<128xi32, #tpu.memory_space<vmem>>
      %dma_start3A_66 = arith.constant 0 : i32
      %dma_start3A_67 = arith.constant 0 : i32
      %dma_start3A_68 = tpu.memref_slice %arg5[%dma_start3A_66, %dma_start3A_67] : memref<4x128xf32, #tpu.memory_space<vmem_shared>> -> memref<4x128xf32, #tpu.memory_space<vmem_shared>>
      tpu.enqueue_indirect_dma source(%dma_start3A_68 : memref<4x128xf32, #tpu.memory_space<vmem_shared>>) target(%arg10 : memref<128x128xf32, #tpu.memory_space<vmem>>) offsets(%dma_start3A_65 : memref<128xi32, #tpu.memory_space<vmem>>) semaphore(%arg15 : memref<!tpu.dma_semaphore, #tpu.memory_space<semaphore_mem>>)
      %dma_wait3A_69 = arith.constant 0 : i32
      %dma_wait3A_70 = tpu.memref_slice %arg6[%dma_wait3A_69] : memref<1280xi32, #tpu.memory_space<vmem>> -> memref<128xi32, #tpu.memory_space<vmem>>
      %dma_wait3A_71 = arith.constant 0 : i32
      %dma_wait3A_72 = arith.constant 0 : i32
      %dma_wait3A_73 = tpu.memref_slice %arg5[%dma_wait3A_71, %dma_wait3A_72] : memref<4x128xf32, #tpu.memory_space<vmem_shared>> -> memref<4x128xf32, #tpu.memory_space<vmem_shared>>
      tpu.wait_indirect_dma semaphore(%arg13 : memref<!tpu.dma_semaphore, #tpu.memory_space<semaphore_mem>>) src(%dma_wait3A_73 : memref<4x128xf32, #tpu.memory_space<vmem_shared>>) dst(%arg8 : memref<128x128xf32, #tpu.memory_space<vmem>>)
      %mul3A_74 = arith.constant 128 : i32
      %mul3A_75 = arith.muli %add3A_52, %mul3A_74 : i32
      %add3A_76 = arith.addi %mul3A_2, %mul3A_75 : i32
      %dma_start3A_77 = arith.constant 0 : i32
      %dma_start3A_78 = tpu.memref_slice %arg4[%add3A_76, %dma_start3A_77] : memref<3276800x128xf32, #tpu.memory_space<hbm>> -> memref<128x128xf32, #tpu.memory_space<hbm>>
      %dma_start3A_79 = arith.constant 0 : i32
      %dma_start3A_80 = tpu.memref_slice %arg4[%add3A_76, %dma_start3A_79] : memref<3276800x128xf32, #tpu.memory_space<hbm>> -> memref<128x128xf32, #tpu.memory_space<hbm>>
      tpu.enqueue_dma source(%arg8 : memref<128x128xf32, #tpu.memory_space<vmem>>) target(%dma_start3A_80 : memref<128x128xf32, #tpu.memory_space<hbm>>) target_semaphore(%arg18 : memref<!tpu.dma_semaphore, #tpu.memory_space<semaphore_mem>>)
      %mul3A_81 = arith.constant 10 : i32
      %mul3A_82 = arith.muli %add3A_48, %mul3A_81 : i32
      %add3A_83 = arith.constant 1 : i32
      %add3A_84 = arith.addi %mul3A_82, %add3A_83 : i32
      %gt3A_85 = arith.constant 0 : i32
      %gt3A_86 = arith.cmpi sgt, %scan3A_44, %gt3A_85 : i32
      %convert_element_type3A_87 = arith.extui %gt3A_86 : i1 to i32
      %cond3A_88 = arith.constant 0 : i32
      %cond3A_89 = arith.cmpi ne, %convert_element_type3A_87, %cond3A_88 : i32
      scf.if %cond3A_89 {
        %dma_wait3A_604 = arith.constant 0 : i32
        %dma_wait3A_605 = arith.constant 0 : i32
        %dma_wait3A_606 = tpu.memref_slice %arg4[%dma_wait3A_604, %dma_wait3A_605] : memref<3276800x128xf32, #tpu.memory_space<hbm>> -> memref<128x128xf32, #tpu.memory_space<hbm>>
        %dma_wait3A_607 = arith.constant 0 : i32
        %dma_wait3A_608 = arith.constant 0 : i32
        %dma_wait3A_609 = tpu.memref_slice %arg4[%dma_wait3A_607, %dma_wait3A_608] : memref<3276800x128xf32, #tpu.memory_space<hbm>> -> memref<128x128xf32, #tpu.memory_space<hbm>>
        tpu.wait_dma2 semaphore(%arg21 : memref<!tpu.dma_semaphore, #tpu.memory_space<semaphore_mem>>) src(%arg11 : memref<128x128xf32, #tpu.memory_space<vmem>>) dst(%dma_wait3A_609 : memref<128x128xf32, #tpu.memory_space<hbm>>)
      } else {
      }
      %dma_start3A_90 = arith.constant 384 : i32
      %dma_start3A_91 = tpu.memref_slice %arg6[%dma_start3A_90] : memref<1280xi32, #tpu.memory_space<vmem>> -> memref<128xi32, #tpu.memory_space<vmem>>
      %dma_start3A_92 = arith.constant 0 : i32
      %dma_start3A_93 = arith.constant 0 : i32
      %dma_start3A_94 = tpu.memref_slice %arg5[%dma_start3A_92, %dma_start3A_93] : memref<4x128xf32, #tpu.memory_space<vmem_shared>> -> memref<4x128xf32, #tpu.memory_space<vmem_shared>>
      tpu.enqueue_indirect_dma source(%dma_start3A_94 : memref<4x128xf32, #tpu.memory_space<vmem_shared>>) target(%arg11 : memref<128x128xf32, #tpu.memory_space<vmem>>) offsets(%dma_start3A_91 : memref<128xi32, #tpu.memory_space<vmem>>) semaphore(%arg16 : memref<!tpu.dma_semaphore, #tpu.memory_space<semaphore_mem>>)
      %dma_wait3A_95 = arith.constant 128 : i32
      %dma_wait3A_96 = tpu.memref_slice %arg6[%dma_wait3A_95] : memref<1280xi32, #tpu.memory_space<vmem>> -> memref<128xi32, #tpu.memory_space<vmem>>
      %dma_wait3A_97 = arith.constant 0 : i32
      %dma_wait3A_98 = arith.constant 0 : i32
      %dma_wait3A_99 = tpu.memref_slice %arg5[%dma_wait3A_97, %dma_wait3A_98] : memref<4x128xf32, #tpu.memory_space<vmem_shared>> -> memref<4x128xf32, #tpu.memory_space<vmem_shared>>
      tpu.wait_indirect_dma semaphore(%arg14 : memref<!tpu.dma_semaphore, #tpu.memory_space<semaphore_mem>>) src(%dma_wait3A_99 : memref<4x128xf32, #tpu.memory_space<vmem_shared>>) dst(%arg9 : memref<128x128xf32, #tpu.memory_space<vmem>>)
      %mul3A_100 = arith.constant 128 : i32
      %mul3A_101 = arith.muli %add3A_84, %mul3A_100 : i32
      %add3A_102 = arith.addi %mul3A_2, %mul3A_101 : i32
      %dma_start3A_103 = arith.constant 0 : i32
      %dma_start3A_104 = tpu.memref_slice %arg4[%add3A_102, %dma_start3A_103] : memref<3276800x128xf32, #tpu.memory_space<hbm>> -> memref<128x128xf32, #tpu.memory_space<hbm>>
      %dma_start3A_105 = arith.constant 0 : i32
      %dma_start3A_106 = tpu.memref_slice %arg4[%add3A_102, %dma_start3A_105] : memref<3276800x128xf32, #tpu.memory_space<hbm>> -> memref<128x128xf32, #tpu.memory_space<hbm>>
      tpu.enqueue_dma source(%arg9 : memref<128x128xf32, #tpu.memory_space<vmem>>) target(%dma_start3A_106 : memref<128x128xf32, #tpu.memory_space<hbm>>) target_semaphore(%arg19 : memref<!tpu.dma_semaphore, #tpu.memory_space<semaphore_mem>>)
      %mul3A_107 = arith.constant 10 : i32
      %mul3A_108 = arith.muli %add3A_48, %mul3A_107 : i32
      %add3A_109 = arith.constant 2 : i32
      %add3A_110 = arith.addi %mul3A_108, %add3A_109 : i32
      %gt3A_111 = arith.constant 0 : i32
      %gt3A_112 = arith.cmpi sgt, %scan3A_44, %gt3A_111 : i32
      %convert_element_type3A_113 = arith.extui %gt3A_112 : i1 to i32
      %cond3A_114 = arith.constant 0 : i32
      %cond3A_115 = arith.cmpi ne, %convert_element_type3A_113, %cond3A_114 : i32
      scf.if %cond3A_115 {
        %dma_wait3A_604 = arith.constant 0 : i32
        %dma_wait3A_605 = arith.constant 0 : i32
        %dma_wait3A_606 = tpu.memref_slice %arg4[%dma_wait3A_604, %dma_wait3A_605] : memref<3276800x128xf32, #tpu.memory_space<hbm>> -> memref<128x128xf32, #tpu.memory_space<hbm>>
        %dma_wait3A_607 = arith.constant 0 : i32
        %dma_wait3A_608 = arith.constant 0 : i32
        %dma_wait3A_609 = tpu.memref_slice %arg4[%dma_wait3A_607, %dma_wait3A_608] : memref<3276800x128xf32, #tpu.memory_space<hbm>> -> memref<128x128xf32, #tpu.memory_space<hbm>>
        tpu.wait_dma2 semaphore(%arg22 : memref<!tpu.dma_semaphore, #tpu.memory_space<semaphore_mem>>) src(%arg12 : memref<128x128xf32, #tpu.memory_space<vmem>>) dst(%dma_wait3A_609 : memref<128x128xf32, #tpu.memory_space<hbm>>)
      } else {
      }
      %dma_start3A_116 = arith.constant 512 : i32
      %dma_start3A_117 = tpu.memref_slice %arg6[%dma_start3A_116] : memref<1280xi32, #tpu.memory_space<vmem>> -> memref<128xi32, #tpu.memory_space<vmem>>
      %dma_start3A_118 = arith.constant 0 : i32
      %dma_start3A_119 = arith.constant 0 : i32
      %dma_start3A_120 = tpu.memref_slice %arg5[%dma_start3A_118, %dma_start3A_119] : memref<4x128xf32, #tpu.memory_space<vmem_shared>> -> memref<4x128xf32, #tpu.memory_space<vmem_shared>>
      tpu.enqueue_indirect_dma source(%dma_start3A_120 : memref<4x128xf32, #tpu.memory_space<vmem_shared>>) target(%arg12 : memref<128x128xf32, #tpu.memory_space<vmem>>) offsets(%dma_start3A_117 : memref<128xi32, #tpu.memory_space<vmem>>) semaphore(%arg17 : memref<!tpu.dma_semaphore, #tpu.memory_space<semaphore_mem>>)
      %dma_wait3A_121 = arith.constant 256 : i32
      %dma_wait3A_122 = tpu.memref_slice %arg6[%dma_wait3A_121] : memref<1280xi32, #tpu.memory_space<vmem>> -> memref<128xi32, #tpu.memory_space<vmem>>
      %dma_wait3A_123 = arith.constant 0 : i32
      %dma_wait3A_124 = arith.constant 0 : i32
      %dma_wait3A_125 = tpu.memref_slice %arg5[%dma_wait3A_123, %dma_wait3A_124] : memref<4x128xf32, #tpu.memory_space<vmem_shared>> -> memref<4x128xf32, #tpu.memory_space<vmem_shared>>
      tpu.wait_indirect_dma semaphore(%arg15 : memref<!tpu.dma_semaphore, #tpu.memory_space<semaphore_mem>>) src(%dma_wait3A_125 : memref<4x128xf32, #tpu.memory_space<vmem_shared>>) dst(%arg10 : memref<128x128xf32, #tpu.memory_space<vmem>>)
      %mul3A_126 = arith.constant 128 : i32
      %mul3A_127 = arith.muli %add3A_110, %mul3A_126 : i32
      %add3A_128 = arith.addi %mul3A_2, %mul3A_127 : i32
      %dma_start3A_129 = arith.constant 0 : i32
      %dma_start3A_130 = tpu.memref_slice %arg4[%add3A_128, %dma_start3A_129] : memref<3276800x128xf32, #tpu.memory_space<hbm>> -> memref<128x128xf32, #tpu.memory_space<hbm>>
      %dma_start3A_131 = arith.constant 0 : i32
      %dma_start3A_132 = tpu.memref_slice %arg4[%add3A_128, %dma_start3A_131] : memref<3276800x128xf32, #tpu.memory_space<hbm>> -> memref<128x128xf32, #tpu.memory_space<hbm>>
      tpu.enqueue_dma source(%arg10 : memref<128x128xf32, #tpu.memory_space<vmem>>) target(%dma_start3A_132 : memref<128x128xf32, #tpu.memory_space<hbm>>) target_semaphore(%arg20 : memref<!tpu.dma_semaphore, #tpu.memory_space<semaphore_mem>>)
      %mul3A_133 = arith.constant 10 : i32
      %mul3A_134 = arith.muli %add3A_48, %mul3A_133 : i32
      %add3A_135 = arith.constant 3 : i32
      %add3A_136 = arith.addi %mul3A_134, %add3A_135 : i32
      %dma_wait3A_137 = arith.constant 0 : i32
      %dma_wait3A_138 = arith.constant 0 : i32
      %dma_wait3A_139 = tpu.memref_slice %arg4[%dma_wait3A_137, %dma_wait3A_138] : memref<3276800x128xf32, #tpu.memory_space<hbm>> -> memref<128x128xf32, #tpu.memory_space<hbm>>
      %dma_wait3A_140 = arith.constant 0 : i32
      %dma_wait3A_141 = arith.constant 0 : i32
      %dma_wait3A_142 = tpu.memref_slice %arg4[%dma_wait3A_140, %dma_wait3A_141] : memref<3276800x128xf32, #tpu.memory_space<hbm>> -> memref<128x128xf32, #tpu.memory_space<hbm>>
      tpu.wait_dma2 semaphore(%arg18 : memref<!tpu.dma_semaphore, #tpu.memory_space<semaphore_mem>>) src(%arg8 : memref<128x128xf32, #tpu.memory_space<vmem>>) dst(%dma_wait3A_142 : memref<128x128xf32, #tpu.memory_space<hbm>>)
      %dma_start3A_143 = arith.constant 640 : i32
      %dma_start3A_144 = tpu.memref_slice %arg6[%dma_start3A_143] : memref<1280xi32, #tpu.memory_space<vmem>> -> memref<128xi32, #tpu.memory_space<vmem>>
      %dma_start3A_145 = arith.constant 0 : i32
      %dma_start3A_146 = arith.constant 0 : i32
      %dma_start3A_147 = tpu.memref_slice %arg5[%dma_start3A_145, %dma_start3A_146] : memref<4x128xf32, #tpu.memory_space<vmem_shared>> -> memref<4x128xf32, #tpu.memory_space<vmem_shared>>
      tpu.enqueue_indirect_dma source(%dma_start3A_147 : memref<4x128xf32, #tpu.memory_space<vmem_shared>>) target(%arg8 : memref<128x128xf32, #tpu.memory_space<vmem>>) offsets(%dma_start3A_144 : memref<128xi32, #tpu.memory_space<vmem>>) semaphore(%arg13 : memref<!tpu.dma_semaphore, #tpu.memory_space<semaphore_mem>>)
      %dma_wait3A_148 = arith.constant 384 : i32
      %dma_wait3A_149 = tpu.memref_slice %arg6[%dma_wait3A_148] : memref<1280xi32, #tpu.memory_space<vmem>> -> memref<128xi32, #tpu.memory_space<vmem>>
      %dma_wait3A_150 = arith.constant 0 : i32
      %dma_wait3A_151 = arith.constant 0 : i32
      %dma_wait3A_152 = tpu.memref_slice %arg5[%dma_wait3A_150, %dma_wait3A_151] : memref<4x128xf32, #tpu.memory_space<vmem_shared>> -> memref<4x128xf32, #tpu.memory_space<vmem_shared>>
      tpu.wait_indirect_dma semaphore(%arg16 : memref<!tpu.dma_semaphore, #tpu.memory_space<semaphore_mem>>) src(%dma_wait3A_152 : memref<4x128xf32, #tpu.memory_space<vmem_shared>>) dst(%arg11 : memref<128x128xf32, #tpu.memory_space<vmem>>)
      %mul3A_153 = arith.constant 128 : i32
      %mul3A_154 = arith.muli %add3A_136, %mul3A_153 : i32
      %add3A_155 = arith.addi %mul3A_2, %mul3A_154 : i32
      %dma_start3A_156 = arith.constant 0 : i32
      %dma_start3A_157 = tpu.memref_slice %arg4[%add3A_155, %dma_start3A_156] : memref<3276800x128xf32, #tpu.memory_space<hbm>> -> memref<128x128xf32, #tpu.memory_space<hbm>>
      %dma_start3A_158 = arith.constant 0 : i32
      %dma_start3A_159 = tpu.memref_slice %arg4[%add3A_155, %dma_start3A_158] : memref<3276800x128xf32, #tpu.memory_space<hbm>> -> memref<128x128xf32, #tpu.memory_space<hbm>>
      tpu.enqueue_dma source(%arg11 : memref<128x128xf32, #tpu.memory_space<vmem>>) target(%dma_start3A_159 : memref<128x128xf32, #tpu.memory_space<hbm>>) target_semaphore(%arg21 : memref<!tpu.dma_semaphore, #tpu.memory_space<semaphore_mem>>)
      %mul3A_160 = arith.constant 10 : i32
      %mul3A_161 = arith.muli %add3A_48, %mul3A_160 : i32
      %add3A_162 = arith.constant 4 : i32
      %add3A_163 = arith.addi %mul3A_161, %add3A_162 : i32
      %dma_wait3A_164 = arith.constant 0 : i32
      %dma_wait3A_165 = arith.constant 0 : i32
      %dma_wait3A_166 = tpu.memref_slice %arg4[%dma_wait3A_164, %dma_wait3A_165] : memref<3276800x128xf32, #tpu.memory_space<hbm>> -> memref<128x128xf32, #tpu.memory_space<hbm>>
      %dma_wait3A_167 = arith.constant 0 : i32
      %dma_wait3A_168 = arith.constant 0 : i32
      %dma_wait3A_169 = tpu.memref_slice %arg4[%dma_wait3A_167, %dma_wait3A_168] : memref<3276800x128xf32, #tpu.memory_space<hbm>> -> memref<128x128xf32, #tpu.memory_space<hbm>>
      tpu.wait_dma2 semaphore(%arg19 : memref<!tpu.dma_semaphore, #tpu.memory_space<semaphore_mem>>) src(%arg9 : memref<128x128xf32, #tpu.memory_space<vmem>>) dst(%dma_wait3A_169 : memref<128x128xf32, #tpu.memory_space<hbm>>)
      %dma_start3A_170 = arith.constant 768 : i32
      %dma_start3A_171 = tpu.memref_slice %arg6[%dma_start3A_170] : memref<1280xi32, #tpu.memory_space<vmem>> -> memref<128xi32, #tpu.memory_space<vmem>>
      %dma_start3A_172 = arith.constant 0 : i32
      %dma_start3A_173 = arith.constant 0 : i32
      %dma_start3A_174 = tpu.memref_slice %arg5[%dma_start3A_172, %dma_start3A_173] : memref<4x128xf32, #tpu.memory_space<vmem_shared>> -> memref<4x128xf32, #tpu.memory_space<vmem_shared>>
      tpu.enqueue_indirect_dma source(%dma_start3A_174 : memref<4x128xf32, #tpu.memory_space<vmem_shared>>) target(%arg9 : memref<128x128xf32, #tpu.memory_space<vmem>>) offsets(%dma_start3A_171 : memref<128xi32, #tpu.memory_space<vmem>>) semaphore(%arg14 : memref<!tpu.dma_semaphore, #tpu.memory_space<semaphore_mem>>)
      %dma_wait3A_175 = arith.constant 512 : i32
      %dma_wait3A_176 = tpu.memref_slice %arg6[%dma_wait3A_175] : memref<1280xi32, #tpu.memory_space<vmem>> -> memref<128xi32, #tpu.memory_space<vmem>>
      %dma_wait3A_177 = arith.constant 0 : i32
      %dma_wait3A_178 = arith.constant 0 : i32
      %dma_wait3A_179 = tpu.memref_slice %arg5[%dma_wait3A_177, %dma_wait3A_178] : memref<4x128xf32, #tpu.memory_space<vmem_shared>> -> memref<4x128xf32, #tpu.memory_space<vmem_shared>>
      tpu.wait_indirect_dma semaphore(%arg17 : memref<!tpu.dma_semaphore, #tpu.memory_space<semaphore_mem>>) src(%dma_wait3A_179 : memref<4x128xf32, #tpu.memory_space<vmem_shared>>) dst(%arg12 : memref<128x128xf32, #tpu.memory_space<vmem>>)
      %mul3A_180 = arith.constant 128 : i32
      %mul3A_181 = arith.muli %add3A_163, %mul3A_180 : i32
      %add3A_182 = arith.addi %mul3A_2, %mul3A_181 : i32
      %dma_start3A_183 = arith.constant 0 : i32
      %dma_start3A_184 = tpu.memref_slice %arg4[%add3A_182, %dma_start3A_183] : memref<3276800x128xf32, #tpu.memory_space<hbm>> -> memref<128x128xf32, #tpu.memory_space<hbm>>
      %dma_start3A_185 = arith.constant 0 : i32
      %dma_start3A_186 = tpu.memref_slice %arg4[%add3A_182, %dma_start3A_185] : memref<3276800x128xf32, #tpu.memory_space<hbm>> -> memref<128x128xf32, #tpu.memory_space<hbm>>
      tpu.enqueue_dma source(%arg12 : memref<128x128xf32, #tpu.memory_space<vmem>>) target(%dma_start3A_186 : memref<128x128xf32, #tpu.memory_space<hbm>>) target_semaphore(%arg22 : memref<!tpu.dma_semaphore, #tpu.memory_space<semaphore_mem>>)
      %mul3A_187 = arith.constant 10 : i32
      %mul3A_188 = arith.muli %add3A_48, %mul3A_187 : i32
      %add3A_189 = arith.constant 5 : i32
      %add3A_190 = arith.addi %mul3A_188, %add3A_189 : i32
      %dma_wait3A_191 = arith.constant 0 : i32
      %dma_wait3A_192 = arith.constant 0 : i32
      %dma_wait3A_193 = tpu.memref_slice %arg4[%dma_wait3A_191, %dma_wait3A_192] : memref<3276800x128xf32, #tpu.memory_space<hbm>> -> memref<128x128xf32, #tpu.memory_space<hbm>>
      %dma_wait3A_194 = arith.constant 0 : i32
      %dma_wait3A_195 = arith.constant 0 : i32
      %dma_wait3A_196 = tpu.memref_slice %arg4[%dma_wait3A_194, %dma_wait3A_195] : memref<3276800x128xf32, #tpu.memory_space<hbm>> -> memref<128x128xf32, #tpu.memory_space<hbm>>
      tpu.wait_dma2 semaphore(%arg20 : memref<!tpu.dma_semaphore, #tpu.memory_space<semaphore_mem>>) src(%arg10 : memref<128x128xf32, #tpu.memory_space<vmem>>) dst(%dma_wait3A_196 : memref<128x128xf32, #tpu.memory_space<hbm>>)
      %dma_start3A_197 = arith.constant 896 : i32
      %dma_start3A_198 = tpu.memref_slice %arg6[%dma_start3A_197] : memref<1280xi32, #tpu.memory_space<vmem>> -> memref<128xi32, #tpu.memory_space<vmem>>
      %dma_start3A_199 = arith.constant 0 : i32
      %dma_start3A_200 = arith.constant 0 : i32
      %dma_start3A_201 = tpu.memref_slice %arg5[%dma_start3A_199, %dma_start3A_200] : memref<4x128xf32, #tpu.memory_space<vmem_shared>> -> memref<4x128xf32, #tpu.memory_space<vmem_shared>>
      tpu.enqueue_indirect_dma source(%dma_start3A_201 : memref<4x128xf32, #tpu.memory_space<vmem_shared>>) target(%arg10 : memref<128x128xf32, #tpu.memory_space<vmem>>) offsets(%dma_start3A_198 : memref<128xi32, #tpu.memory_space<vmem>>) semaphore(%arg15 : memref<!tpu.dma_semaphore, #tpu.memory_space<semaphore_mem>>)
      %dma_wait3A_202 = arith.constant 640 : i32
      %dma_wait3A_203 = tpu.memref_slice %arg6[%dma_wait3A_202] : memref<1280xi32, #tpu.memory_space<vmem>> -> memref<128xi32, #tpu.memory_space<vmem>>
      %dma_wait3A_204 = arith.constant 0 : i32
      %dma_wait3A_205 = arith.constant 0 : i32
      %dma_wait3A_206 = tpu.memref_slice %arg5[%dma_wait3A_204, %dma_wait3A_205] : memref<4x128xf32, #tpu.memory_space<vmem_shared>> -> memref<4x128xf32, #tpu.memory_space<vmem_shared>>
      tpu.wait_indirect_dma semaphore(%arg13 : memref<!tpu.dma_semaphore, #tpu.memory_space<semaphore_mem>>) src(%dma_wait3A_206 : memref<4x128xf32, #tpu.memory_space<vmem_shared>>) dst(%arg8 : memref<128x128xf32, #tpu.memory_space<vmem>>)
      %mul3A_207 = arith.constant 128 : i32
      %mul3A_208 = arith.muli %add3A_190, %mul3A_207 : i32
      %add3A_209 = arith.addi %mul3A_2, %mul3A_208 : i32
      %dma_start3A_210 = arith.constant 0 : i32
      %dma_start3A_211 = tpu.memref_slice %arg4[%add3A_209, %dma_start3A_210] : memref<3276800x128xf32, #tpu.memory_space<hbm>> -> memref<128x128xf32, #tpu.memory_space<hbm>>
      %dma_start3A_212 = arith.constant 0 : i32
      %dma_start3A_213 = tpu.memref_slice %arg4[%add3A_209, %dma_start3A_212] : memref<3276800x128xf32, #tpu.memory_space<hbm>> -> memref<128x128xf32, #tpu.memory_space<hbm>>
      tpu.enqueue_dma source(%arg8 : memref<128x128xf32, #tpu.memory_space<vmem>>) target(%dma_start3A_213 : memref<128x128xf32, #tpu.memory_space<hbm>>) target_semaphore(%arg18 : memref<!tpu.dma_semaphore, #tpu.memory_space<semaphore_mem>>)
      %mul3A_214 = arith.constant 10 : i32
      %mul3A_215 = arith.muli %add3A_48, %mul3A_214 : i32
      %add3A_216 = arith.constant 6 : i32
      %add3A_217 = arith.addi %mul3A_215, %add3A_216 : i32
      %dma_wait3A_218 = arith.constant 0 : i32
      %dma_wait3A_219 = arith.constant 0 : i32
      %dma_wait3A_220 = tpu.memref_slice %arg4[%dma_wait3A_218, %dma_wait3A_219] : memref<3276800x128xf32, #tpu.memory_space<hbm>> -> memref<128x128xf32, #tpu.memory_space<hbm>>
      %dma_wait3A_221 = arith.constant 0 : i32
      %dma_wait3A_222 = arith.constant 0 : i32
      %dma_wait3A_223 = tpu.memref_slice %arg4[%dma_wait3A_221, %dma_wait3A_222] : memref<3276800x128xf32, #tpu.memory_space<hbm>> -> memref<128x128xf32, #tpu.memory_space<hbm>>
      tpu.wait_dma2 semaphore(%arg21 : memref<!tpu.dma_semaphore, #tpu.memory_space<semaphore_mem>>) src(%arg11 : memref<128x128xf32, #tpu.memory_space<vmem>>) dst(%dma_wait3A_223 : memref<128x128xf32, #tpu.memory_space<hbm>>)
      %dma_start3A_224 = arith.constant 1024 : i32
      %dma_start3A_225 = tpu.memref_slice %arg6[%dma_start3A_224] : memref<1280xi32, #tpu.memory_space<vmem>> -> memref<128xi32, #tpu.memory_space<vmem>>
      %dma_start3A_226 = arith.constant 0 : i32
      %dma_start3A_227 = arith.constant 0 : i32
      %dma_start3A_228 = tpu.memref_slice %arg5[%dma_start3A_226, %dma_start3A_227] : memref<4x128xf32, #tpu.memory_space<vmem_shared>> -> memref<4x128xf32, #tpu.memory_space<vmem_shared>>
      tpu.enqueue_indirect_dma source(%dma_start3A_228 : memref<4x128xf32, #tpu.memory_space<vmem_shared>>) target(%arg11 : memref<128x128xf32, #tpu.memory_space<vmem>>) offsets(%dma_start3A_225 : memref<128xi32, #tpu.memory_space<vmem>>) semaphore(%arg16 : memref<!tpu.dma_semaphore, #tpu.memory_space<semaphore_mem>>)
      %dma_wait3A_229 = arith.constant 768 : i32
      %dma_wait3A_230 = tpu.memref_slice %arg6[%dma_wait3A_229] : memref<1280xi32, #tpu.memory_space<vmem>> -> memref<128xi32, #tpu.memory_space<vmem>>
      %dma_wait3A_231 = arith.constant 0 : i32
      %dma_wait3A_232 = arith.constant 0 : i32
      %dma_wait3A_233 = tpu.memref_slice %arg5[%dma_wait3A_231, %dma_wait3A_232] : memref<4x128xf32, #tpu.memory_space<vmem_shared>> -> memref<4x128xf32, #tpu.memory_space<vmem_shared>>
      tpu.wait_indirect_dma semaphore(%arg14 : memref<!tpu.dma_semaphore, #tpu.memory_space<semaphore_mem>>) src(%dma_wait3A_233 : memref<4x128xf32, #tpu.memory_space<vmem_shared>>) dst(%arg9 : memref<128x128xf32, #tpu.memory_space<vmem>>)
      %mul3A_234 = arith.constant 128 : i32
      %mul3A_235 = arith.muli %add3A_217, %mul3A_234 : i32
      %add3A_236 = arith.addi %mul3A_2, %mul3A_235 : i32
      %dma_start3A_237 = arith.constant 0 : i32
      %dma_start3A_238 = tpu.memref_slice %arg4[%add3A_236, %dma_start3A_237] : memref<3276800x128xf32, #tpu.memory_space<hbm>> -> memref<128x128xf32, #tpu.memory_space<hbm>>
      %dma_start3A_239 = arith.constant 0 : i32
      %dma_start3A_240 = tpu.memref_slice %arg4[%add3A_236, %dma_start3A_239] : memref<3276800x128xf32, #tpu.memory_space<hbm>> -> memref<128x128xf32, #tpu.memory_space<hbm>>
      tpu.enqueue_dma source(%arg9 : memref<128x128xf32, #tpu.memory_space<vmem>>) target(%dma_start3A_240 : memref<128x128xf32, #tpu.memory_space<hbm>>) target_semaphore(%arg19 : memref<!tpu.dma_semaphore, #tpu.memory_space<semaphore_mem>>)
      %mul3A_241 = arith.constant 10 : i32
      %mul3A_242 = arith.muli %add3A_48, %mul3A_241 : i32
      %add3A_243 = arith.constant 7 : i32
      %add3A_244 = arith.addi %mul3A_242, %add3A_243 : i32
      %dma_wait3A_245 = arith.constant 0 : i32
      %dma_wait3A_246 = arith.constant 0 : i32
      %dma_wait3A_247 = tpu.memref_slice %arg4[%dma_wait3A_245, %dma_wait3A_246] : memref<3276800x128xf32, #tpu.memory_space<hbm>> -> memref<128x128xf32, #tpu.memory_space<hbm>>
      %dma_wait3A_248 = arith.constant 0 : i32
      %dma_wait3A_249 = arith.constant 0 : i32
      %dma_wait3A_250 = tpu.memref_slice %arg4[%dma_wait3A_248, %dma_wait3A_249] : memref<3276800x128xf32, #tpu.memory_space<hbm>> -> memref<128x128xf32, #tpu.memory_space<hbm>>
      tpu.wait_dma2 semaphore(%arg22 : memref<!tpu.dma_semaphore, #tpu.memory_space<semaphore_mem>>) src(%arg12 : memref<128x128xf32, #tpu.memory_space<vmem>>) dst(%dma_wait3A_250 : memref<128x128xf32, #tpu.memory_space<hbm>>)
      %dma_start3A_251 = arith.constant 1152 : i32
      %dma_start3A_252 = tpu.memref_slice %arg6[%dma_start3A_251] : memref<1280xi32, #tpu.memory_space<vmem>> -> memref<128xi32, #tpu.memory_space<vmem>>
      %dma_start3A_253 = arith.constant 0 : i32
      %dma_start3A_254 = arith.constant 0 : i32
      %dma_start3A_255 = tpu.memref_slice %arg5[%dma_start3A_253, %dma_start3A_254] : memref<4x128xf32, #tpu.memory_space<vmem_shared>> -> memref<4x128xf32, #tpu.memory_space<vmem_shared>>
      tpu.enqueue_indirect_dma source(%dma_start3A_255 : memref<4x128xf32, #tpu.memory_space<vmem_shared>>) target(%arg12 : memref<128x128xf32, #tpu.memory_space<vmem>>) offsets(%dma_start3A_252 : memref<128xi32, #tpu.memory_space<vmem>>) semaphore(%arg17 : memref<!tpu.dma_semaphore, #tpu.memory_space<semaphore_mem>>)
      %dma_wait3A_256 = arith.constant 896 : i32
      %dma_wait3A_257 = tpu.memref_slice %arg6[%dma_wait3A_256] : memref<1280xi32, #tpu.memory_space<vmem>> -> memref<128xi32, #tpu.memory_space<vmem>>
      %dma_wait3A_258 = arith.constant 0 : i32
      %dma_wait3A_259 = arith.constant 0 : i32
      %dma_wait3A_260 = tpu.memref_slice %arg5[%dma_wait3A_258, %dma_wait3A_259] : memref<4x128xf32, #tpu.memory_space<vmem_shared>> -> memref<4x128xf32, #tpu.memory_space<vmem_shared>>
      tpu.wait_indirect_dma semaphore(%arg15 : memref<!tpu.dma_semaphore, #tpu.memory_space<semaphore_mem>>) src(%dma_wait3A_260 : memref<4x128xf32, #tpu.memory_space<vmem_shared>>) dst(%arg10 : memref<128x128xf32, #tpu.memory_space<vmem>>)
      %mul3A_261 = arith.constant 128 : i32
      %mul3A_262 = arith.muli %add3A_244, %mul3A_261 : i32
      %add3A_263 = arith.addi %mul3A_2, %mul3A_262 : i32
      %dma_start3A_264 = arith.constant 0 : i32
      %dma_start3A_265 = tpu.memref_slice %arg4[%add3A_263, %dma_start3A_264] : memref<3276800x128xf32, #tpu.memory_space<hbm>> -> memref<128x128xf32, #tpu.memory_space<hbm>>
      %dma_start3A_266 = arith.constant 0 : i32
      %dma_start3A_267 = tpu.memref_slice %arg4[%add3A_263, %dma_start3A_266] : memref<3276800x128xf32, #tpu.memory_space<hbm>> -> memref<128x128xf32, #tpu.memory_space<hbm>>
      tpu.enqueue_dma source(%arg10 : memref<128x128xf32, #tpu.memory_space<vmem>>) target(%dma_start3A_267 : memref<128x128xf32, #tpu.memory_space<hbm>>) target_semaphore(%arg20 : memref<!tpu.dma_semaphore, #tpu.memory_space<semaphore_mem>>)
      %mul3A_268 = arith.constant 10 : i32
      %mul3A_269 = arith.muli %add3A_48, %mul3A_268 : i32
      %add3A_270 = arith.constant 8 : i32
      %add3A_271 = arith.addi %mul3A_269, %add3A_270 : i32
      %dma_wait3A_272 = arith.constant 0 : i32
      %dma_wait3A_273 = arith.constant 0 : i32
      %dma_wait3A_274 = tpu.memref_slice %arg4[%dma_wait3A_272, %dma_wait3A_273] : memref<3276800x128xf32, #tpu.memory_space<hbm>> -> memref<128x128xf32, #tpu.memory_space<hbm>>
      %dma_wait3A_275 = arith.constant 0 : i32
      %dma_wait3A_276 = arith.constant 0 : i32
      %dma_wait3A_277 = tpu.memref_slice %arg4[%dma_wait3A_275, %dma_wait3A_276] : memref<3276800x128xf32, #tpu.memory_space<hbm>> -> memref<128x128xf32, #tpu.memory_space<hbm>>
      tpu.wait_dma2 semaphore(%arg18 : memref<!tpu.dma_semaphore, #tpu.memory_space<semaphore_mem>>) src(%arg8 : memref<128x128xf32, #tpu.memory_space<vmem>>) dst(%dma_wait3A_277 : memref<128x128xf32, #tpu.memory_space<hbm>>)
      %dma_wait3A_278 = arith.constant 0 : i32
      %dma_wait3A_279 = tpu.memref_slice %arg2[%dma_wait3A_278] : memref<3276800xi32, #tpu.memory_space<hbm>> -> memref<1280xi32, #tpu.memory_space<hbm>>
      %dma_wait3A_280 = arith.constant 0 : i32
      %dma_wait3A_281 = tpu.memref_slice %arg2[%dma_wait3A_280] : memref<3276800xi32, #tpu.memory_space<hbm>> -> memref<1280xi32, #tpu.memory_space<hbm>>
      tpu.wait_dma2 semaphore(%arg24 : memref<!tpu.dma_semaphore, #tpu.memory_space<semaphore_mem>>) src(%dma_wait3A_281 : memref<1280xi32, #tpu.memory_space<hbm>>) dst(%arg7 : memref<1280xi32, #tpu.memory_space<vmem>>)
      %dma_start3A_282 = arith.constant 0 : i32
      %dma_start3A_283 = tpu.memref_slice %arg7[%dma_start3A_282] : memref<1280xi32, #tpu.memory_space<vmem>> -> memref<128xi32, #tpu.memory_space<vmem>>
      %dma_start3A_284 = arith.constant 0 : i32
      %dma_start3A_285 = arith.constant 0 : i32
      %dma_start3A_286 = tpu.memref_slice %arg5[%dma_start3A_284, %dma_start3A_285] : memref<4x128xf32, #tpu.memory_space<vmem_shared>> -> memref<4x128xf32, #tpu.memory_space<vmem_shared>>
      tpu.enqueue_indirect_dma source(%dma_start3A_286 : memref<4x128xf32, #tpu.memory_space<vmem_shared>>) target(%arg8 : memref<128x128xf32, #tpu.memory_space<vmem>>) offsets(%dma_start3A_283 : memref<128xi32, #tpu.memory_space<vmem>>) semaphore(%arg13 : memref<!tpu.dma_semaphore, #tpu.memory_space<semaphore_mem>>)
      %dma_wait3A_287 = arith.constant 1024 : i32
      %dma_wait3A_288 = tpu.memref_slice %arg6[%dma_wait3A_287] : memref<1280xi32, #tpu.memory_space<vmem>> -> memref<128xi32, #tpu.memory_space<vmem>>
      %dma_wait3A_289 = arith.constant 0 : i32
      %dma_wait3A_290 = arith.constant 0 : i32
      %dma_wait3A_291 = tpu.memref_slice %arg5[%dma_wait3A_289, %dma_wait3A_290] : memref<4x128xf32, #tpu.memory_space<vmem_shared>> -> memref<4x128xf32, #tpu.memory_space<vmem_shared>>
      tpu.wait_indirect_dma semaphore(%arg16 : memref<!tpu.dma_semaphore, #tpu.memory_space<semaphore_mem>>) src(%dma_wait3A_291 : memref<4x128xf32, #tpu.memory_space<vmem_shared>>) dst(%arg11 : memref<128x128xf32, #tpu.memory_space<vmem>>)
      %mul3A_292 = arith.constant 128 : i32
      %mul3A_293 = arith.muli %add3A_271, %mul3A_292 : i32
      %add3A_294 = arith.addi %mul3A_2, %mul3A_293 : i32
      %dma_start3A_295 = arith.constant 0 : i32
      %dma_start3A_296 = tpu.memref_slice %arg4[%add3A_294, %dma_start3A_295] : memref<3276800x128xf32, #tpu.memory_space<hbm>> -> memref<128x128xf32, #tpu.memory_space<hbm>>
      %dma_start3A_297 = arith.constant 0 : i32
      %dma_start3A_298 = tpu.memref_slice %arg4[%add3A_294, %dma_start3A_297] : memref<3276800x128xf32, #tpu.memory_space<hbm>> -> memref<128x128xf32, #tpu.memory_space<hbm>>
      tpu.enqueue_dma source(%arg11 : memref<128x128xf32, #tpu.memory_space<vmem>>) target(%dma_start3A_298 : memref<128x128xf32, #tpu.memory_space<hbm>>) target_semaphore(%arg21 : memref<!tpu.dma_semaphore, #tpu.memory_space<semaphore_mem>>)
      %mul3A_299 = arith.constant 10 : i32
      %mul3A_300 = arith.muli %add3A_48, %mul3A_299 : i32
      %add3A_301 = arith.constant 9 : i32
      %add3A_302 = arith.addi %mul3A_300, %add3A_301 : i32
      %dma_wait3A_303 = arith.constant 0 : i32
      %dma_wait3A_304 = arith.constant 0 : i32
      %dma_wait3A_305 = tpu.memref_slice %arg4[%dma_wait3A_303, %dma_wait3A_304] : memref<3276800x128xf32, #tpu.memory_space<hbm>> -> memref<128x128xf32, #tpu.memory_space<hbm>>
      %dma_wait3A_306 = arith.constant 0 : i32
      %dma_wait3A_307 = arith.constant 0 : i32
      %dma_wait3A_308 = tpu.memref_slice %arg4[%dma_wait3A_306, %dma_wait3A_307] : memref<3276800x128xf32, #tpu.memory_space<hbm>> -> memref<128x128xf32, #tpu.memory_space<hbm>>
      tpu.wait_dma2 semaphore(%arg19 : memref<!tpu.dma_semaphore, #tpu.memory_space<semaphore_mem>>) src(%arg9 : memref<128x128xf32, #tpu.memory_space<vmem>>) dst(%dma_wait3A_308 : memref<128x128xf32, #tpu.memory_space<hbm>>)
      %dma_start3A_309 = arith.constant 128 : i32
      %dma_start3A_310 = tpu.memref_slice %arg7[%dma_start3A_309] : memref<1280xi32, #tpu.memory_space<vmem>> -> memref<128xi32, #tpu.memory_space<vmem>>
      %dma_start3A_311 = arith.constant 0 : i32
      %dma_start3A_312 = arith.constant 0 : i32
      %dma_start3A_313 = tpu.memref_slice %arg5[%dma_start3A_311, %dma_start3A_312] : memref<4x128xf32, #tpu.memory_space<vmem_shared>> -> memref<4x128xf32, #tpu.memory_space<vmem_shared>>
      tpu.enqueue_indirect_dma source(%dma_start3A_313 : memref<4x128xf32, #tpu.memory_space<vmem_shared>>) target(%arg9 : memref<128x128xf32, #tpu.memory_space<vmem>>) offsets(%dma_start3A_310 : memref<128xi32, #tpu.memory_space<vmem>>) semaphore(%arg14 : memref<!tpu.dma_semaphore, #tpu.memory_space<semaphore_mem>>)
      %dma_wait3A_314 = arith.constant 1152 : i32
      %dma_wait3A_315 = tpu.memref_slice %arg6[%dma_wait3A_314] : memref<1280xi32, #tpu.memory_space<vmem>> -> memref<128xi32, #tpu.memory_space<vmem>>
      %dma_wait3A_316 = arith.constant 0 : i32
      %dma_wait3A_317 = arith.constant 0 : i32
      %dma_wait3A_318 = tpu.memref_slice %arg5[%dma_wait3A_316, %dma_wait3A_317] : memref<4x128xf32, #tpu.memory_space<vmem_shared>> -> memref<4x128xf32, #tpu.memory_space<vmem_shared>>
      tpu.wait_indirect_dma semaphore(%arg17 : memref<!tpu.dma_semaphore, #tpu.memory_space<semaphore_mem>>) src(%dma_wait3A_318 : memref<4x128xf32, #tpu.memory_space<vmem_shared>>) dst(%arg12 : memref<128x128xf32, #tpu.memory_space<vmem>>)
      %mul3A_319 = arith.constant 128 : i32
      %mul3A_320 = arith.muli %add3A_302, %mul3A_319 : i32
      %add3A_321 = arith.addi %mul3A_2, %mul3A_320 : i32
      %dma_start3A_322 = arith.constant 0 : i32
      %dma_start3A_323 = tpu.memref_slice %arg4[%add3A_321, %dma_start3A_322] : memref<3276800x128xf32, #tpu.memory_space<hbm>> -> memref<128x128xf32, #tpu.memory_space<hbm>>
      %dma_start3A_324 = arith.constant 0 : i32
      %dma_start3A_325 = tpu.memref_slice %arg4[%add3A_321, %dma_start3A_324] : memref<3276800x128xf32, #tpu.memory_space<hbm>> -> memref<128x128xf32, #tpu.memory_space<hbm>>
      tpu.enqueue_dma source(%arg12 : memref<128x128xf32, #tpu.memory_space<vmem>>) target(%dma_start3A_325 : memref<128x128xf32, #tpu.memory_space<hbm>>) target_semaphore(%arg22 : memref<!tpu.dma_semaphore, #tpu.memory_space<semaphore_mem>>)
      %mul3A_326 = arith.constant 2 : i32
      %mul3A_327 = arith.muli %scan3A_44, %mul3A_326 : i32
      %add3A_328 = arith.constant 1 : i32
      %add3A_329 = arith.addi %mul3A_327, %add3A_328 : i32
      %mul3A_330 = arith.constant 10 : i32
      %mul3A_331 = arith.muli %add3A_329, %mul3A_330 : i32
      %add3A_332 = arith.constant 0 : i32
      %add3A_333 = arith.addi %mul3A_331, %add3A_332 : i32
      %lt3A = arith.constant 39 : i32
      %lt3A_334 = arith.cmpi slt, %scan3A_44, %lt3A : i32
      %convert_element_type3A_335 = arith.extui %lt3A_334 : i1 to i32
      %cond3A_336 = arith.constant 0 : i32
      %cond3A_337 = arith.cmpi ne, %convert_element_type3A_335, %cond3A_336 : i32
      scf.if %cond3A_337 {
        %add3A_604 = arith.constant 1 : i32
        %add3A_605 = arith.addi %add3A_329, %add3A_604 : i32
        %mul3A_606 = arith.constant 1280 : i32
        %mul3A_607 = arith.muli %add3A_605, %mul3A_606 : i32
        %add3A_608 = arith.addi %mul3A_2, %mul3A_607 : i32
        %dma_start3A_609 = tpu.memref_slice %arg2[%add3A_608] : memref<3276800xi32, #tpu.memory_space<hbm>> -> memref<1280xi32, #tpu.memory_space<hbm>>
        %dma_start3A_610 = tpu.memref_slice %arg2[%add3A_608] : memref<3276800xi32, #tpu.memory_space<hbm>> -> memref<1280xi32, #tpu.memory_space<hbm>>
        tpu.enqueue_dma source(%dma_start3A_610 : memref<1280xi32, #tpu.memory_space<hbm>>) target(%arg6 : memref<1280xi32, #tpu.memory_space<vmem>>) target_semaphore(%arg23 : memref<!tpu.dma_semaphore, #tpu.memory_space<semaphore_mem>>)
      } else {
      }
      %dma_wait3A_338 = arith.constant 0 : i32
      %dma_wait3A_339 = arith.constant 0 : i32
      %dma_wait3A_340 = tpu.memref_slice %arg4[%dma_wait3A_338, %dma_wait3A_339] : memref<3276800x128xf32, #tpu.memory_space<hbm>> -> memref<128x128xf32, #tpu.memory_space<hbm>>
      %dma_wait3A_341 = arith.constant 0 : i32
      %dma_wait3A_342 = arith.constant 0 : i32
      %dma_wait3A_343 = tpu.memref_slice %arg4[%dma_wait3A_341, %dma_wait3A_342] : memref<3276800x128xf32, #tpu.memory_space<hbm>> -> memref<128x128xf32, #tpu.memory_space<hbm>>
      tpu.wait_dma2 semaphore(%arg20 : memref<!tpu.dma_semaphore, #tpu.memory_space<semaphore_mem>>) src(%arg10 : memref<128x128xf32, #tpu.memory_space<vmem>>) dst(%dma_wait3A_343 : memref<128x128xf32, #tpu.memory_space<hbm>>)
      %dma_start3A_344 = arith.constant 256 : i32
      %dma_start3A_345 = tpu.memref_slice %arg7[%dma_start3A_344] : memref<1280xi32, #tpu.memory_space<vmem>> -> memref<128xi32, #tpu.memory_space<vmem>>
      %dma_start3A_346 = arith.constant 0 : i32
      %dma_start3A_347 = arith.constant 0 : i32
      %dma_start3A_348 = tpu.memref_slice %arg5[%dma_start3A_346, %dma_start3A_347] : memref<4x128xf32, #tpu.memory_space<vmem_shared>> -> memref<4x128xf32, #tpu.memory_space<vmem_shared>>
      tpu.enqueue_indirect_dma source(%dma_start3A_348 : memref<4x128xf32, #tpu.memory_space<vmem_shared>>) target(%arg10 : memref<128x128xf32, #tpu.memory_space<vmem>>) offsets(%dma_start3A_345 : memref<128xi32, #tpu.memory_space<vmem>>) semaphore(%arg15 : memref<!tpu.dma_semaphore, #tpu.memory_space<semaphore_mem>>)
      %dma_wait3A_349 = arith.constant 0 : i32
      %dma_wait3A_350 = tpu.memref_slice %arg7[%dma_wait3A_349] : memref<1280xi32, #tpu.memory_space<vmem>> -> memref<128xi32, #tpu.memory_space<vmem>>
      %dma_wait3A_351 = arith.constant 0 : i32
      %dma_wait3A_352 = arith.constant 0 : i32
      %dma_wait3A_353 = tpu.memref_slice %arg5[%dma_wait3A_351, %dma_wait3A_352] : memref<4x128xf32, #tpu.memory_space<vmem_shared>> -> memref<4x128xf32, #tpu.memory_space<vmem_shared>>
      tpu.wait_indirect_dma semaphore(%arg13 : memref<!tpu.dma_semaphore, #tpu.memory_space<semaphore_mem>>) src(%dma_wait3A_353 : memref<4x128xf32, #tpu.memory_space<vmem_shared>>) dst(%arg8 : memref<128x128xf32, #tpu.memory_space<vmem>>)
      %mul3A_354 = arith.constant 128 : i32
      %mul3A_355 = arith.muli %add3A_333, %mul3A_354 : i32
      %add3A_356 = arith.addi %mul3A_2, %mul3A_355 : i32
      %dma_start3A_357 = arith.constant 0 : i32
      %dma_start3A_358 = tpu.memref_slice %arg4[%add3A_356, %dma_start3A_357] : memref<3276800x128xf32, #tpu.memory_space<hbm>> -> memref<128x128xf32, #tpu.memory_space<hbm>>
      %dma_start3A_359 = arith.constant 0 : i32
      %dma_start3A_360 = tpu.memref_slice %arg4[%add3A_356, %dma_start3A_359] : memref<3276800x128xf32, #tpu.memory_space<hbm>> -> memref<128x128xf32, #tpu.memory_space<hbm>>
      tpu.enqueue_dma source(%arg8 : memref<128x128xf32, #tpu.memory_space<vmem>>) target(%dma_start3A_360 : memref<128x128xf32, #tpu.memory_space<hbm>>) target_semaphore(%arg18 : memref<!tpu.dma_semaphore, #tpu.memory_space<semaphore_mem>>)
      %mul3A_361 = arith.constant 10 : i32
      %mul3A_362 = arith.muli %add3A_329, %mul3A_361 : i32
      %add3A_363 = arith.constant 1 : i32
      %add3A_364 = arith.addi %mul3A_362, %add3A_363 : i32
      %dma_wait3A_365 = arith.constant 0 : i32
      %dma_wait3A_366 = arith.constant 0 : i32
      %dma_wait3A_367 = tpu.memref_slice %arg4[%dma_wait3A_365, %dma_wait3A_366] : memref<3276800x128xf32, #tpu.memory_space<hbm>> -> memref<128x128xf32, #tpu.memory_space<hbm>>
      %dma_wait3A_368 = arith.constant 0 : i32
      %dma_wait3A_369 = arith.constant 0 : i32
      %dma_wait3A_370 = tpu.memref_slice %arg4[%dma_wait3A_368, %dma_wait3A_369] : memref<3276800x128xf32, #tpu.memory_space<hbm>> -> memref<128x128xf32, #tpu.memory_space<hbm>>
      tpu.wait_dma2 semaphore(%arg21 : memref<!tpu.dma_semaphore, #tpu.memory_space<semaphore_mem>>) src(%arg11 : memref<128x128xf32, #tpu.memory_space<vmem>>) dst(%dma_wait3A_370 : memref<128x128xf32, #tpu.memory_space<hbm>>)
      %dma_start3A_371 = arith.constant 384 : i32
      %dma_start3A_372 = tpu.memref_slice %arg7[%dma_start3A_371] : memref<1280xi32, #tpu.memory_space<vmem>> -> memref<128xi32, #tpu.memory_space<vmem>>
      %dma_start3A_373 = arith.constant 0 : i32
      %dma_start3A_374 = arith.constant 0 : i32
      %dma_start3A_375 = tpu.memref_slice %arg5[%dma_start3A_373, %dma_start3A_374] : memref<4x128xf32, #tpu.memory_space<vmem_shared>> -> memref<4x128xf32, #tpu.memory_space<vmem_shared>>
      tpu.enqueue_indirect_dma source(%dma_start3A_375 : memref<4x128xf32, #tpu.memory_space<vmem_shared>>) target(%arg11 : memref<128x128xf32, #tpu.memory_space<vmem>>) offsets(%dma_start3A_372 : memref<128xi32, #tpu.memory_space<vmem>>) semaphore(%arg16 : memref<!tpu.dma_semaphore, #tpu.memory_space<semaphore_mem>>)
      %dma_wait3A_376 = arith.constant 128 : i32
      %dma_wait3A_377 = tpu.memref_slice %arg7[%dma_wait3A_376] : memref<1280xi32, #tpu.memory_space<vmem>> -> memref<128xi32, #tpu.memory_space<vmem>>
      %dma_wait3A_378 = arith.constant 0 : i32
      %dma_wait3A_379 = arith.constant 0 : i32
      %dma_wait3A_380 = tpu.memref_slice %arg5[%dma_wait3A_378, %dma_wait3A_379] : memref<4x128xf32, #tpu.memory_space<vmem_shared>> -> memref<4x128xf32, #tpu.memory_space<vmem_shared>>
      tpu.wait_indirect_dma semaphore(%arg14 : memref<!tpu.dma_semaphore, #tpu.memory_space<semaphore_mem>>) src(%dma_wait3A_380 : memref<4x128xf32, #tpu.memory_space<vmem_shared>>) dst(%arg9 : memref<128x128xf32, #tpu.memory_space<vmem>>)
      %mul3A_381 = arith.constant 128 : i32
      %mul3A_382 = arith.muli %add3A_364, %mul3A_381 : i32
      %add3A_383 = arith.addi %mul3A_2, %mul3A_382 : i32
      %dma_start3A_384 = arith.constant 0 : i32
      %dma_start3A_385 = tpu.memref_slice %arg4[%add3A_383, %dma_start3A_384] : memref<3276800x128xf32, #tpu.memory_space<hbm>> -> memref<128x128xf32, #tpu.memory_space<hbm>>
      %dma_start3A_386 = arith.constant 0 : i32
      %dma_start3A_387 = tpu.memref_slice %arg4[%add3A_383, %dma_start3A_386] : memref<3276800x128xf32, #tpu.memory_space<hbm>> -> memref<128x128xf32, #tpu.memory_space<hbm>>
      tpu.enqueue_dma source(%arg9 : memref<128x128xf32, #tpu.memory_space<vmem>>) target(%dma_start3A_387 : memref<128x128xf32, #tpu.memory_space<hbm>>) target_semaphore(%arg19 : memref<!tpu.dma_semaphore, #tpu.memory_space<semaphore_mem>>)
      %mul3A_388 = arith.constant 10 : i32
      %mul3A_389 = arith.muli %add3A_329, %mul3A_388 : i32
      %add3A_390 = arith.constant 2 : i32
      %add3A_391 = arith.addi %mul3A_389, %add3A_390 : i32
      %dma_wait3A_392 = arith.constant 0 : i32
      %dma_wait3A_393 = arith.constant 0 : i32
      %dma_wait3A_394 = tpu.memref_slice %arg4[%dma_wait3A_392, %dma_wait3A_393] : memref<3276800x128xf32, #tpu.memory_space<hbm>> -> memref<128x128xf32, #tpu.memory_space<hbm>>
      %dma_wait3A_395 = arith.constant 0 : i32
      %dma_wait3A_396 = arith.constant 0 : i32
      %dma_wait3A_397 = tpu.memref_slice %arg4[%dma_wait3A_395, %dma_wait3A_396] : memref<3276800x128xf32, #tpu.memory_space<hbm>> -> memref<128x128xf32, #tpu.memory_space<hbm>>
      tpu.wait_dma2 semaphore(%arg22 : memref<!tpu.dma_semaphore, #tpu.memory_space<semaphore_mem>>) src(%arg12 : memref<128x128xf32, #tpu.memory_space<vmem>>) dst(%dma_wait3A_397 : memref<128x128xf32, #tpu.memory_space<hbm>>)
      %dma_start3A_398 = arith.constant 512 : i32
      %dma_start3A_399 = tpu.memref_slice %arg7[%dma_start3A_398] : memref<1280xi32, #tpu.memory_space<vmem>> -> memref<128xi32, #tpu.memory_space<vmem>>
      %dma_start3A_400 = arith.constant 0 : i32
      %dma_start3A_401 = arith.constant 0 : i32
      %dma_start3A_402 = tpu.memref_slice %arg5[%dma_start3A_400, %dma_start3A_401] : memref<4x128xf32, #tpu.memory_space<vmem_shared>> -> memref<4x128xf32, #tpu.memory_space<vmem_shared>>
      tpu.enqueue_indirect_dma source(%dma_start3A_402 : memref<4x128xf32, #tpu.memory_space<vmem_shared>>) target(%arg12 : memref<128x128xf32, #tpu.memory_space<vmem>>) offsets(%dma_start3A_399 : memref<128xi32, #tpu.memory_space<vmem>>) semaphore(%arg17 : memref<!tpu.dma_semaphore, #tpu.memory_space<semaphore_mem>>)
      %dma_wait3A_403 = arith.constant 256 : i32
      %dma_wait3A_404 = tpu.memref_slice %arg7[%dma_wait3A_403] : memref<1280xi32, #tpu.memory_space<vmem>> -> memref<128xi32, #tpu.memory_space<vmem>>
      %dma_wait3A_405 = arith.constant 0 : i32
      %dma_wait3A_406 = arith.constant 0 : i32
      %dma_wait3A_407 = tpu.memref_slice %arg5[%dma_wait3A_405, %dma_wait3A_406] : memref<4x128xf32, #tpu.memory_space<vmem_shared>> -> memref<4x128xf32, #tpu.memory_space<vmem_shared>>
      tpu.wait_indirect_dma semaphore(%arg15 : memref<!tpu.dma_semaphore, #tpu.memory_space<semaphore_mem>>) src(%dma_wait3A_407 : memref<4x128xf32, #tpu.memory_space<vmem_shared>>) dst(%arg10 : memref<128x128xf32, #tpu.memory_space<vmem>>)
      %mul3A_408 = arith.constant 128 : i32
      %mul3A_409 = arith.muli %add3A_391, %mul3A_408 : i32
      %add3A_410 = arith.addi %mul3A_2, %mul3A_409 : i32
      %dma_start3A_411 = arith.constant 0 : i32
      %dma_start3A_412 = tpu.memref_slice %arg4[%add3A_410, %dma_start3A_411] : memref<3276800x128xf32, #tpu.memory_space<hbm>> -> memref<128x128xf32, #tpu.memory_space<hbm>>
      %dma_start3A_413 = arith.constant 0 : i32
      %dma_start3A_414 = tpu.memref_slice %arg4[%add3A_410, %dma_start3A_413] : memref<3276800x128xf32, #tpu.memory_space<hbm>> -> memref<128x128xf32, #tpu.memory_space<hbm>>
      tpu.enqueue_dma source(%arg10 : memref<128x128xf32, #tpu.memory_space<vmem>>) target(%dma_start3A_414 : memref<128x128xf32, #tpu.memory_space<hbm>>) target_semaphore(%arg20 : memref<!tpu.dma_semaphore, #tpu.memory_space<semaphore_mem>>)
      %mul3A_415 = arith.constant 10 : i32
      %mul3A_416 = arith.muli %add3A_329, %mul3A_415 : i32
      %add3A_417 = arith.constant 3 : i32
      %add3A_418 = arith.addi %mul3A_416, %add3A_417 : i32
      %dma_wait3A_419 = arith.constant 0 : i32
      %dma_wait3A_420 = arith.constant 0 : i32
      %dma_wait3A_421 = tpu.memref_slice %arg4[%dma_wait3A_419, %dma_wait3A_420] : memref<3276800x128xf32, #tpu.memory_space<hbm>> -> memref<128x128xf32, #tpu.memory_space<hbm>>
      %dma_wait3A_422 = arith.constant 0 : i32
      %dma_wait3A_423 = arith.constant 0 : i32
      %dma_wait3A_424 = tpu.memref_slice %arg4[%dma_wait3A_422, %dma_wait3A_423] : memref<3276800x128xf32, #tpu.memory_space<hbm>> -> memref<128x128xf32, #tpu.memory_space<hbm>>
      tpu.wait_dma2 semaphore(%arg18 : memref<!tpu.dma_semaphore, #tpu.memory_space<semaphore_mem>>) src(%arg8 : memref<128x128xf32, #tpu.memory_space<vmem>>) dst(%dma_wait3A_424 : memref<128x128xf32, #tpu.memory_space<hbm>>)
      %dma_start3A_425 = arith.constant 640 : i32
      %dma_start3A_426 = tpu.memref_slice %arg7[%dma_start3A_425] : memref<1280xi32, #tpu.memory_space<vmem>> -> memref<128xi32, #tpu.memory_space<vmem>>
      %dma_start3A_427 = arith.constant 0 : i32
      %dma_start3A_428 = arith.constant 0 : i32
      %dma_start3A_429 = tpu.memref_slice %arg5[%dma_start3A_427, %dma_start3A_428] : memref<4x128xf32, #tpu.memory_space<vmem_shared>> -> memref<4x128xf32, #tpu.memory_space<vmem_shared>>
      tpu.enqueue_indirect_dma source(%dma_start3A_429 : memref<4x128xf32, #tpu.memory_space<vmem_shared>>) target(%arg8 : memref<128x128xf32, #tpu.memory_space<vmem>>) offsets(%dma_start3A_426 : memref<128xi32, #tpu.memory_space<vmem>>) semaphore(%arg13 : memref<!tpu.dma_semaphore, #tpu.memory_space<semaphore_mem>>)
      %dma_wait3A_430 = arith.constant 384 : i32
      %dma_wait3A_431 = tpu.memref_slice %arg7[%dma_wait3A_430] : memref<1280xi32, #tpu.memory_space<vmem>> -> memref<128xi32, #tpu.memory_space<vmem>>
      %dma_wait3A_432 = arith.constant 0 : i32
      %dma_wait3A_433 = arith.constant 0 : i32
      %dma_wait3A_434 = tpu.memref_slice %arg5[%dma_wait3A_432, %dma_wait3A_433] : memref<4x128xf32, #tpu.memory_space<vmem_shared>> -> memref<4x128xf32, #tpu.memory_space<vmem_shared>>
      tpu.wait_indirect_dma semaphore(%arg16 : memref<!tpu.dma_semaphore, #tpu.memory_space<semaphore_mem>>) src(%dma_wait3A_434 : memref<4x128xf32, #tpu.memory_space<vmem_shared>>) dst(%arg11 : memref<128x128xf32, #tpu.memory_space<vmem>>)
      %mul3A_435 = arith.constant 128 : i32
      %mul3A_436 = arith.muli %add3A_418, %mul3A_435 : i32
      %add3A_437 = arith.addi %mul3A_2, %mul3A_436 : i32
      %dma_start3A_438 = arith.constant 0 : i32
      %dma_start3A_439 = tpu.memref_slice %arg4[%add3A_437, %dma_start3A_438] : memref<3276800x128xf32, #tpu.memory_space<hbm>> -> memref<128x128xf32, #tpu.memory_space<hbm>>
      %dma_start3A_440 = arith.constant 0 : i32
      %dma_start3A_441 = tpu.memref_slice %arg4[%add3A_437, %dma_start3A_440] : memref<3276800x128xf32, #tpu.memory_space<hbm>> -> memref<128x128xf32, #tpu.memory_space<hbm>>
      tpu.enqueue_dma source(%arg11 : memref<128x128xf32, #tpu.memory_space<vmem>>) target(%dma_start3A_441 : memref<128x128xf32, #tpu.memory_space<hbm>>) target_semaphore(%arg21 : memref<!tpu.dma_semaphore, #tpu.memory_space<semaphore_mem>>)
      %mul3A_442 = arith.constant 10 : i32
      %mul3A_443 = arith.muli %add3A_329, %mul3A_442 : i32
      %add3A_444 = arith.constant 4 : i32
      %add3A_445 = arith.addi %mul3A_443, %add3A_444 : i32
      %dma_wait3A_446 = arith.constant 0 : i32
      %dma_wait3A_447 = arith.constant 0 : i32
      %dma_wait3A_448 = tpu.memref_slice %arg4[%dma_wait3A_446, %dma_wait3A_447] : memref<3276800x128xf32, #tpu.memory_space<hbm>> -> memref<128x128xf32, #tpu.memory_space<hbm>>
      %dma_wait3A_449 = arith.constant 0 : i32
      %dma_wait3A_450 = arith.constant 0 : i32
      %dma_wait3A_451 = tpu.memref_slice %arg4[%dma_wait3A_449, %dma_wait3A_450] : memref<3276800x128xf32, #tpu.memory_space<hbm>> -> memref<128x128xf32, #tpu.memory_space<hbm>>
      tpu.wait_dma2 semaphore(%arg19 : memref<!tpu.dma_semaphore, #tpu.memory_space<semaphore_mem>>) src(%arg9 : memref<128x128xf32, #tpu.memory_space<vmem>>) dst(%dma_wait3A_451 : memref<128x128xf32, #tpu.memory_space<hbm>>)
      %dma_start3A_452 = arith.constant 768 : i32
      %dma_start3A_453 = tpu.memref_slice %arg7[%dma_start3A_452] : memref<1280xi32, #tpu.memory_space<vmem>> -> memref<128xi32, #tpu.memory_space<vmem>>
      %dma_start3A_454 = arith.constant 0 : i32
      %dma_start3A_455 = arith.constant 0 : i32
      %dma_start3A_456 = tpu.memref_slice %arg5[%dma_start3A_454, %dma_start3A_455] : memref<4x128xf32, #tpu.memory_space<vmem_shared>> -> memref<4x128xf32, #tpu.memory_space<vmem_shared>>
      tpu.enqueue_indirect_dma source(%dma_start3A_456 : memref<4x128xf32, #tpu.memory_space<vmem_shared>>) target(%arg9 : memref<128x128xf32, #tpu.memory_space<vmem>>) offsets(%dma_start3A_453 : memref<128xi32, #tpu.memory_space<vmem>>) semaphore(%arg14 : memref<!tpu.dma_semaphore, #tpu.memory_space<semaphore_mem>>)
      %dma_wait3A_457 = arith.constant 512 : i32
      %dma_wait3A_458 = tpu.memref_slice %arg7[%dma_wait3A_457] : memref<1280xi32, #tpu.memory_space<vmem>> -> memref<128xi32, #tpu.memory_space<vmem>>
      %dma_wait3A_459 = arith.constant 0 : i32
      %dma_wait3A_460 = arith.constant 0 : i32
      %dma_wait3A_461 = tpu.memref_slice %arg5[%dma_wait3A_459, %dma_wait3A_460] : memref<4x128xf32, #tpu.memory_space<vmem_shared>> -> memref<4x128xf32, #tpu.memory_space<vmem_shared>>
      tpu.wait_indirect_dma semaphore(%arg17 : memref<!tpu.dma_semaphore, #tpu.memory_space<semaphore_mem>>) src(%dma_wait3A_461 : memref<4x128xf32, #tpu.memory_space<vmem_shared>>) dst(%arg12 : memref<128x128xf32, #tpu.memory_space<vmem>>)
      %mul3A_462 = arith.constant 128 : i32
      %mul3A_463 = arith.muli %add3A_445, %mul3A_462 : i32
      %add3A_464 = arith.addi %mul3A_2, %mul3A_463 : i32
      %dma_start3A_465 = arith.constant 0 : i32
      %dma_start3A_466 = tpu.memref_slice %arg4[%add3A_464, %dma_start3A_465] : memref<3276800x128xf32, #tpu.memory_space<hbm>> -> memref<128x128xf32, #tpu.memory_space<hbm>>
      %dma_start3A_467 = arith.constant 0 : i32
      %dma_start3A_468 = tpu.memref_slice %arg4[%add3A_464, %dma_start3A_467] : memref<3276800x128xf32, #tpu.memory_space<hbm>> -> memref<128x128xf32, #tpu.memory_space<hbm>>
      tpu.enqueue_dma source(%arg12 : memref<128x128xf32, #tpu.memory_space<vmem>>) target(%dma_start3A_468 : memref<128x128xf32, #tpu.memory_space<hbm>>) target_semaphore(%arg22 : memref<!tpu.dma_semaphore, #tpu.memory_space<semaphore_mem>>)
      %mul3A_469 = arith.constant 10 : i32
      %mul3A_470 = arith.muli %add3A_329, %mul3A_469 : i32
      %add3A_471 = arith.constant 5 : i32
      %add3A_472 = arith.addi %mul3A_470, %add3A_471 : i32
      %dma_wait3A_473 = arith.constant 0 : i32
      %dma_wait3A_474 = arith.constant 0 : i32
      %dma_wait3A_475 = tpu.memref_slice %arg4[%dma_wait3A_473, %dma_wait3A_474] : memref<3276800x128xf32, #tpu.memory_space<hbm>> -> memref<128x128xf32, #tpu.memory_space<hbm>>
      %dma_wait3A_476 = arith.constant 0 : i32
      %dma_wait3A_477 = arith.constant 0 : i32
      %dma_wait3A_478 = tpu.memref_slice %arg4[%dma_wait3A_476, %dma_wait3A_477] : memref<3276800x128xf32, #tpu.memory_space<hbm>> -> memref<128x128xf32, #tpu.memory_space<hbm>>
      tpu.wait_dma2 semaphore(%arg20 : memref<!tpu.dma_semaphore, #tpu.memory_space<semaphore_mem>>) src(%arg10 : memref<128x128xf32, #tpu.memory_space<vmem>>) dst(%dma_wait3A_478 : memref<128x128xf32, #tpu.memory_space<hbm>>)
      %dma_start3A_479 = arith.constant 896 : i32
      %dma_start3A_480 = tpu.memref_slice %arg7[%dma_start3A_479] : memref<1280xi32, #tpu.memory_space<vmem>> -> memref<128xi32, #tpu.memory_space<vmem>>
      %dma_start3A_481 = arith.constant 0 : i32
      %dma_start3A_482 = arith.constant 0 : i32
      %dma_start3A_483 = tpu.memref_slice %arg5[%dma_start3A_481, %dma_start3A_482] : memref<4x128xf32, #tpu.memory_space<vmem_shared>> -> memref<4x128xf32, #tpu.memory_space<vmem_shared>>
      tpu.enqueue_indirect_dma source(%dma_start3A_483 : memref<4x128xf32, #tpu.memory_space<vmem_shared>>) target(%arg10 : memref<128x128xf32, #tpu.memory_space<vmem>>) offsets(%dma_start3A_480 : memref<128xi32, #tpu.memory_space<vmem>>) semaphore(%arg15 : memref<!tpu.dma_semaphore, #tpu.memory_space<semaphore_mem>>)
      %dma_wait3A_484 = arith.constant 640 : i32
      %dma_wait3A_485 = tpu.memref_slice %arg7[%dma_wait3A_484] : memref<1280xi32, #tpu.memory_space<vmem>> -> memref<128xi32, #tpu.memory_space<vmem>>
      %dma_wait3A_486 = arith.constant 0 : i32
      %dma_wait3A_487 = arith.constant 0 : i32
      %dma_wait3A_488 = tpu.memref_slice %arg5[%dma_wait3A_486, %dma_wait3A_487] : memref<4x128xf32, #tpu.memory_space<vmem_shared>> -> memref<4x128xf32, #tpu.memory_space<vmem_shared>>
      tpu.wait_indirect_dma semaphore(%arg13 : memref<!tpu.dma_semaphore, #tpu.memory_space<semaphore_mem>>) src(%dma_wait3A_488 : memref<4x128xf32, #tpu.memory_space<vmem_shared>>) dst(%arg8 : memref<128x128xf32, #tpu.memory_space<vmem>>)
      %mul3A_489 = arith.constant 128 : i32
      %mul3A_490 = arith.muli %add3A_472, %mul3A_489 : i32
      %add3A_491 = arith.addi %mul3A_2, %mul3A_490 : i32
      %dma_start3A_492 = arith.constant 0 : i32
      %dma_start3A_493 = tpu.memref_slice %arg4[%add3A_491, %dma_start3A_492] : memref<3276800x128xf32, #tpu.memory_space<hbm>> -> memref<128x128xf32, #tpu.memory_space<hbm>>
      %dma_start3A_494 = arith.constant 0 : i32
      %dma_start3A_495 = tpu.memref_slice %arg4[%add3A_491, %dma_start3A_494] : memref<3276800x128xf32, #tpu.memory_space<hbm>> -> memref<128x128xf32, #tpu.memory_space<hbm>>
      tpu.enqueue_dma source(%arg8 : memref<128x128xf32, #tpu.memory_space<vmem>>) target(%dma_start3A_495 : memref<128x128xf32, #tpu.memory_space<hbm>>) target_semaphore(%arg18 : memref<!tpu.dma_semaphore, #tpu.memory_space<semaphore_mem>>)
      %mul3A_496 = arith.constant 10 : i32
      %mul3A_497 = arith.muli %add3A_329, %mul3A_496 : i32
      %add3A_498 = arith.constant 6 : i32
      %add3A_499 = arith.addi %mul3A_497, %add3A_498 : i32
      %dma_wait3A_500 = arith.constant 0 : i32
      %dma_wait3A_501 = arith.constant 0 : i32
      %dma_wait3A_502 = tpu.memref_slice %arg4[%dma_wait3A_500, %dma_wait3A_501] : memref<3276800x128xf32, #tpu.memory_space<hbm>> -> memref<128x128xf32, #tpu.memory_space<hbm>>
      %dma_wait3A_503 = arith.constant 0 : i32
      %dma_wait3A_504 = arith.constant 0 : i32
      %dma_wait3A_505 = tpu.memref_slice %arg4[%dma_wait3A_503, %dma_wait3A_504] : memref<3276800x128xf32, #tpu.memory_space<hbm>> -> memref<128x128xf32, #tpu.memory_space<hbm>>
      tpu.wait_dma2 semaphore(%arg21 : memref<!tpu.dma_semaphore, #tpu.memory_space<semaphore_mem>>) src(%arg11 : memref<128x128xf32, #tpu.memory_space<vmem>>) dst(%dma_wait3A_505 : memref<128x128xf32, #tpu.memory_space<hbm>>)
      %dma_start3A_506 = arith.constant 1024 : i32
      %dma_start3A_507 = tpu.memref_slice %arg7[%dma_start3A_506] : memref<1280xi32, #tpu.memory_space<vmem>> -> memref<128xi32, #tpu.memory_space<vmem>>
      %dma_start3A_508 = arith.constant 0 : i32
      %dma_start3A_509 = arith.constant 0 : i32
      %dma_start3A_510 = tpu.memref_slice %arg5[%dma_start3A_508, %dma_start3A_509] : memref<4x128xf32, #tpu.memory_space<vmem_shared>> -> memref<4x128xf32, #tpu.memory_space<vmem_shared>>
      tpu.enqueue_indirect_dma source(%dma_start3A_510 : memref<4x128xf32, #tpu.memory_space<vmem_shared>>) target(%arg11 : memref<128x128xf32, #tpu.memory_space<vmem>>) offsets(%dma_start3A_507 : memref<128xi32, #tpu.memory_space<vmem>>) semaphore(%arg16 : memref<!tpu.dma_semaphore, #tpu.memory_space<semaphore_mem>>)
      %dma_wait3A_511 = arith.constant 768 : i32
      %dma_wait3A_512 = tpu.memref_slice %arg7[%dma_wait3A_511] : memref<1280xi32, #tpu.memory_space<vmem>> -> memref<128xi32, #tpu.memory_space<vmem>>
      %dma_wait3A_513 = arith.constant 0 : i32
      %dma_wait3A_514 = arith.constant 0 : i32
      %dma_wait3A_515 = tpu.memref_slice %arg5[%dma_wait3A_513, %dma_wait3A_514] : memref<4x128xf32, #tpu.memory_space<vmem_shared>> -> memref<4x128xf32, #tpu.memory_space<vmem_shared>>
      tpu.wait_indirect_dma semaphore(%arg14 : memref<!tpu.dma_semaphore, #tpu.memory_space<semaphore_mem>>) src(%dma_wait3A_515 : memref<4x128xf32, #tpu.memory_space<vmem_shared>>) dst(%arg9 : memref<128x128xf32, #tpu.memory_space<vmem>>)
      %mul3A_516 = arith.constant 128 : i32
      %mul3A_517 = arith.muli %add3A_499, %mul3A_516 : i32
      %add3A_518 = arith.addi %mul3A_2, %mul3A_517 : i32
      %dma_start3A_519 = arith.constant 0 : i32
      %dma_start3A_520 = tpu.memref_slice %arg4[%add3A_518, %dma_start3A_519] : memref<3276800x128xf32, #tpu.memory_space<hbm>> -> memref<128x128xf32, #tpu.memory_space<hbm>>
      %dma_start3A_521 = arith.constant 0 : i32
      %dma_start3A_522 = tpu.memref_slice %arg4[%add3A_518, %dma_start3A_521] : memref<3276800x128xf32, #tpu.memory_space<hbm>> -> memref<128x128xf32, #tpu.memory_space<hbm>>
      tpu.enqueue_dma source(%arg9 : memref<128x128xf32, #tpu.memory_space<vmem>>) target(%dma_start3A_522 : memref<128x128xf32, #tpu.memory_space<hbm>>) target_semaphore(%arg19 : memref<!tpu.dma_semaphore, #tpu.memory_space<semaphore_mem>>)
      %mul3A_523 = arith.constant 10 : i32
      %mul3A_524 = arith.muli %add3A_329, %mul3A_523 : i32
      %add3A_525 = arith.constant 7 : i32
      %add3A_526 = arith.addi %mul3A_524, %add3A_525 : i32
      %dma_wait3A_527 = arith.constant 0 : i32
      %dma_wait3A_528 = arith.constant 0 : i32
      %dma_wait3A_529 = tpu.memref_slice %arg4[%dma_wait3A_527, %dma_wait3A_528] : memref<3276800x128xf32, #tpu.memory_space<hbm>> -> memref<128x128xf32, #tpu.memory_space<hbm>>
      %dma_wait3A_530 = arith.constant 0 : i32
      %dma_wait3A_531 = arith.constant 0 : i32
      %dma_wait3A_532 = tpu.memref_slice %arg4[%dma_wait3A_530, %dma_wait3A_531] : memref<3276800x128xf32, #tpu.memory_space<hbm>> -> memref<128x128xf32, #tpu.memory_space<hbm>>
      tpu.wait_dma2 semaphore(%arg22 : memref<!tpu.dma_semaphore, #tpu.memory_space<semaphore_mem>>) src(%arg12 : memref<128x128xf32, #tpu.memory_space<vmem>>) dst(%dma_wait3A_532 : memref<128x128xf32, #tpu.memory_space<hbm>>)
      %dma_start3A_533 = arith.constant 1152 : i32
      %dma_start3A_534 = tpu.memref_slice %arg7[%dma_start3A_533] : memref<1280xi32, #tpu.memory_space<vmem>> -> memref<128xi32, #tpu.memory_space<vmem>>
      %dma_start3A_535 = arith.constant 0 : i32
      %dma_start3A_536 = arith.constant 0 : i32
      %dma_start3A_537 = tpu.memref_slice %arg5[%dma_start3A_535, %dma_start3A_536] : memref<4x128xf32, #tpu.memory_space<vmem_shared>> -> memref<4x128xf32, #tpu.memory_space<vmem_shared>>
      tpu.enqueue_indirect_dma source(%dma_start3A_537 : memref<4x128xf32, #tpu.memory_space<vmem_shared>>) target(%arg12 : memref<128x128xf32, #tpu.memory_space<vmem>>) offsets(%dma_start3A_534 : memref<128xi32, #tpu.memory_space<vmem>>) semaphore(%arg17 : memref<!tpu.dma_semaphore, #tpu.memory_space<semaphore_mem>>)
      %dma_wait3A_538 = arith.constant 896 : i32
      %dma_wait3A_539 = tpu.memref_slice %arg7[%dma_wait3A_538] : memref<1280xi32, #tpu.memory_space<vmem>> -> memref<128xi32, #tpu.memory_space<vmem>>
      %dma_wait3A_540 = arith.constant 0 : i32
      %dma_wait3A_541 = arith.constant 0 : i32
      %dma_wait3A_542 = tpu.memref_slice %arg5[%dma_wait3A_540, %dma_wait3A_541] : memref<4x128xf32, #tpu.memory_space<vmem_shared>> -> memref<4x128xf32, #tpu.memory_space<vmem_shared>>
      tpu.wait_indirect_dma semaphore(%arg15 : memref<!tpu.dma_semaphore, #tpu.memory_space<semaphore_mem>>) src(%dma_wait3A_542 : memref<4x128xf32, #tpu.memory_space<vmem_shared>>) dst(%arg10 : memref<128x128xf32, #tpu.memory_space<vmem>>)
      %mul3A_543 = arith.constant 128 : i32
      %mul3A_544 = arith.muli %add3A_526, %mul3A_543 : i32
      %add3A_545 = arith.addi %mul3A_2, %mul3A_544 : i32
      %dma_start3A_546 = arith.constant 0 : i32
      %dma_start3A_547 = tpu.memref_slice %arg4[%add3A_545, %dma_start3A_546] : memref<3276800x128xf32, #tpu.memory_space<hbm>> -> memref<128x128xf32, #tpu.memory_space<hbm>>
      %dma_start3A_548 = arith.constant 0 : i32
      %dma_start3A_549 = tpu.memref_slice %arg4[%add3A_545, %dma_start3A_548] : memref<3276800x128xf32, #tpu.memory_space<hbm>> -> memref<128x128xf32, #tpu.memory_space<hbm>>
      tpu.enqueue_dma source(%arg10 : memref<128x128xf32, #tpu.memory_space<vmem>>) target(%dma_start3A_549 : memref<128x128xf32, #tpu.memory_space<hbm>>) target_semaphore(%arg20 : memref<!tpu.dma_semaphore, #tpu.memory_space<semaphore_mem>>)
      %mul3A_550 = arith.constant 10 : i32
      %mul3A_551 = arith.muli %add3A_329, %mul3A_550 : i32
      %add3A_552 = arith.constant 8 : i32
      %add3A_553 = arith.addi %mul3A_551, %add3A_552 : i32
      %dma_wait3A_554 = arith.constant 0 : i32
      %dma_wait3A_555 = arith.constant 0 : i32
      %dma_wait3A_556 = tpu.memref_slice %arg4[%dma_wait3A_554, %dma_wait3A_555] : memref<3276800x128xf32, #tpu.memory_space<hbm>> -> memref<128x128xf32, #tpu.memory_space<hbm>>
      %dma_wait3A_557 = arith.constant 0 : i32
      %dma_wait3A_558 = arith.constant 0 : i32
      %dma_wait3A_559 = tpu.memref_slice %arg4[%dma_wait3A_557, %dma_wait3A_558] : memref<3276800x128xf32, #tpu.memory_space<hbm>> -> memref<128x128xf32, #tpu.memory_space<hbm>>
      tpu.wait_dma2 semaphore(%arg18 : memref<!tpu.dma_semaphore, #tpu.memory_space<semaphore_mem>>) src(%arg8 : memref<128x128xf32, #tpu.memory_space<vmem>>) dst(%dma_wait3A_559 : memref<128x128xf32, #tpu.memory_space<hbm>>)
      %lt3A_560 = arith.constant 39 : i32
      %lt3A_561 = arith.cmpi slt, %scan3A_44, %lt3A_560 : i32
      %convert_element_type3A_562 = arith.extui %lt3A_561 : i1 to i32
      %cond3A_563 = arith.constant 0 : i32
      %cond3A_564 = arith.cmpi ne, %convert_element_type3A_562, %cond3A_563 : i32
      scf.if %cond3A_564 {
        %dma_wait3A_604 = arith.constant 0 : i32
        %dma_wait3A_605 = tpu.memref_slice %arg2[%dma_wait3A_604] : memref<3276800xi32, #tpu.memory_space<hbm>> -> memref<1280xi32, #tpu.memory_space<hbm>>
        %dma_wait3A_606 = arith.constant 0 : i32
        %dma_wait3A_607 = tpu.memref_slice %arg2[%dma_wait3A_606] : memref<3276800xi32, #tpu.memory_space<hbm>> -> memref<1280xi32, #tpu.memory_space<hbm>>
        tpu.wait_dma2 semaphore(%arg23 : memref<!tpu.dma_semaphore, #tpu.memory_space<semaphore_mem>>) src(%dma_wait3A_607 : memref<1280xi32, #tpu.memory_space<hbm>>) dst(%arg6 : memref<1280xi32, #tpu.memory_space<vmem>>)
        %dma_start3A_608 = arith.constant 0 : i32
        %dma_start3A_609 = tpu.memref_slice %arg6[%dma_start3A_608] : memref<1280xi32, #tpu.memory_space<vmem>> -> memref<128xi32, #tpu.memory_space<vmem>>
        %dma_start3A_610 = arith.constant 0 : i32
        %dma_start3A_611 = arith.constant 0 : i32
        %dma_start3A_612 = tpu.memref_slice %arg5[%dma_start3A_610, %dma_start3A_611] : memref<4x128xf32, #tpu.memory_space<vmem_shared>> -> memref<4x128xf32, #tpu.memory_space<vmem_shared>>
        tpu.enqueue_indirect_dma source(%dma_start3A_612 : memref<4x128xf32, #tpu.memory_space<vmem_shared>>) target(%arg8 : memref<128x128xf32, #tpu.memory_space<vmem>>) offsets(%dma_start3A_609 : memref<128xi32, #tpu.memory_space<vmem>>) semaphore(%arg13 : memref<!tpu.dma_semaphore, #tpu.memory_space<semaphore_mem>>)
      } else {
      }
      %dma_wait3A_565 = arith.constant 1024 : i32
      %dma_wait3A_566 = tpu.memref_slice %arg7[%dma_wait3A_565] : memref<1280xi32, #tpu.memory_space<vmem>> -> memref<128xi32, #tpu.memory_space<vmem>>
      %dma_wait3A_567 = arith.constant 0 : i32
      %dma_wait3A_568 = arith.constant 0 : i32
      %dma_wait3A_569 = tpu.memref_slice %arg5[%dma_wait3A_567, %dma_wait3A_568] : memref<4x128xf32, #tpu.memory_space<vmem_shared>> -> memref<4x128xf32, #tpu.memory_space<vmem_shared>>
      tpu.wait_indirect_dma semaphore(%arg16 : memref<!tpu.dma_semaphore, #tpu.memory_space<semaphore_mem>>) src(%dma_wait3A_569 : memref<4x128xf32, #tpu.memory_space<vmem_shared>>) dst(%arg11 : memref<128x128xf32, #tpu.memory_space<vmem>>)
      %mul3A_570 = arith.constant 128 : i32
      %mul3A_571 = arith.muli %add3A_553, %mul3A_570 : i32
      %add3A_572 = arith.addi %mul3A_2, %mul3A_571 : i32
      %dma_start3A_573 = arith.constant 0 : i32
      %dma_start3A_574 = tpu.memref_slice %arg4[%add3A_572, %dma_start3A_573] : memref<3276800x128xf32, #tpu.memory_space<hbm>> -> memref<128x128xf32, #tpu.memory_space<hbm>>
      %dma_start3A_575 = arith.constant 0 : i32
      %dma_start3A_576 = tpu.memref_slice %arg4[%add3A_572, %dma_start3A_575] : memref<3276800x128xf32, #tpu.memory_space<hbm>> -> memref<128x128xf32, #tpu.memory_space<hbm>>
      tpu.enqueue_dma source(%arg11 : memref<128x128xf32, #tpu.memory_space<vmem>>) target(%dma_start3A_576 : memref<128x128xf32, #tpu.memory_space<hbm>>) target_semaphore(%arg21 : memref<!tpu.dma_semaphore, #tpu.memory_space<semaphore_mem>>)
      %mul3A_577 = arith.constant 10 : i32
      %mul3A_578 = arith.muli %add3A_329, %mul3A_577 : i32
      %add3A_579 = arith.constant 9 : i32
      %add3A_580 = arith.addi %mul3A_578, %add3A_579 : i32
      %dma_wait3A_581 = arith.constant 0 : i32
      %dma_wait3A_582 = arith.constant 0 : i32
      %dma_wait3A_583 = tpu.memref_slice %arg4[%dma_wait3A_581, %dma_wait3A_582] : memref<3276800x128xf32, #tpu.memory_space<hbm>> -> memref<128x128xf32, #tpu.memory_space<hbm>>
      %dma_wait3A_584 = arith.constant 0 : i32
      %dma_wait3A_585 = arith.constant 0 : i32
      %dma_wait3A_586 = tpu.memref_slice %arg4[%dma_wait3A_584, %dma_wait3A_585] : memref<3276800x128xf32, #tpu.memory_space<hbm>> -> memref<128x128xf32, #tpu.memory_space<hbm>>
      tpu.wait_dma2 semaphore(%arg19 : memref<!tpu.dma_semaphore, #tpu.memory_space<semaphore_mem>>) src(%arg9 : memref<128x128xf32, #tpu.memory_space<vmem>>) dst(%dma_wait3A_586 : memref<128x128xf32, #tpu.memory_space<hbm>>)
      %lt3A_587 = arith.constant 39 : i32
      %lt3A_588 = arith.cmpi slt, %scan3A_44, %lt3A_587 : i32
      %convert_element_type3A_589 = arith.extui %lt3A_588 : i1 to i32
      %cond3A_590 = arith.constant 0 : i32
      %cond3A_591 = arith.cmpi ne, %convert_element_type3A_589, %cond3A_590 : i32
      scf.if %cond3A_591 {
        %dma_start3A_604 = arith.constant 128 : i32
        %dma_start3A_605 = tpu.memref_slice %arg6[%dma_start3A_604] : memref<1280xi32, #tpu.memory_space<vmem>> -> memref<128xi32, #tpu.memory_space<vmem>>
        %dma_start3A_606 = arith.constant 0 : i32
        %dma_start3A_607 = arith.constant 0 : i32
        %dma_start3A_608 = tpu.memref_slice %arg5[%dma_start3A_606, %dma_start3A_607] : memref<4x128xf32, #tpu.memory_space<vmem_shared>> -> memref<4x128xf32, #tpu.memory_space<vmem_shared>>
        tpu.enqueue_indirect_dma source(%dma_start3A_608 : memref<4x128xf32, #tpu.memory_space<vmem_shared>>) target(%arg9 : memref<128x128xf32, #tpu.memory_space<vmem>>) offsets(%dma_start3A_605 : memref<128xi32, #tpu.memory_space<vmem>>) semaphore(%arg14 : memref<!tpu.dma_semaphore, #tpu.memory_space<semaphore_mem>>)
      } else {
      }
      %dma_wait3A_592 = arith.constant 1152 : i32
      %dma_wait3A_593 = tpu.memref_slice %arg7[%dma_wait3A_592] : memref<1280xi32, #tpu.memory_space<vmem>> -> memref<128xi32, #tpu.memory_space<vmem>>
      %dma_wait3A_594 = arith.constant 0 : i32
      %dma_wait3A_595 = arith.constant 0 : i32
      %dma_wait3A_596 = tpu.memref_slice %arg5[%dma_wait3A_594, %dma_wait3A_595] : memref<4x128xf32, #tpu.memory_space<vmem_shared>> -> memref<4x128xf32, #tpu.memory_space<vmem_shared>>
      tpu.wait_indirect_dma semaphore(%arg17 : memref<!tpu.dma_semaphore, #tpu.memory_space<semaphore_mem>>) src(%dma_wait3A_596 : memref<4x128xf32, #tpu.memory_space<vmem_shared>>) dst(%arg12 : memref<128x128xf32, #tpu.memory_space<vmem>>)
      %mul3A_597 = arith.constant 128 : i32
      %mul3A_598 = arith.muli %add3A_580, %mul3A_597 : i32
      %add3A_599 = arith.addi %mul3A_2, %mul3A_598 : i32
      %dma_start3A_600 = arith.constant 0 : i32
      %dma_start3A_601 = tpu.memref_slice %arg4[%add3A_599, %dma_start3A_600] : memref<3276800x128xf32, #tpu.memory_space<hbm>> -> memref<128x128xf32, #tpu.memory_space<hbm>>
      %dma_start3A_602 = arith.constant 0 : i32
      %dma_start3A_603 = tpu.memref_slice %arg4[%add3A_599, %dma_start3A_602] : memref<3276800x128xf32, #tpu.memory_space<hbm>> -> memref<128x128xf32, #tpu.memory_space<hbm>>
      tpu.enqueue_dma source(%arg12 : memref<128x128xf32, #tpu.memory_space<vmem>>) target(%dma_start3A_603 : memref<128x128xf32, #tpu.memory_space<hbm>>) target_semaphore(%arg22 : memref<!tpu.dma_semaphore, #tpu.memory_space<semaphore_mem>>)
    }
    %scan3A_25 = arith.constant 40 : i32
    %dma_wait3A_26 = arith.constant 0 : i32
    %dma_wait3A_27 = arith.constant 0 : i32
    %dma_wait3A_28 = tpu.memref_slice %arg4[%dma_wait3A_26, %dma_wait3A_27] : memref<3276800x128xf32, #tpu.memory_space<hbm>> -> memref<128x128xf32, #tpu.memory_space<hbm>>
    %dma_wait3A_29 = arith.constant 0 : i32
    %dma_wait3A_30 = arith.constant 0 : i32
    %dma_wait3A_31 = tpu.memref_slice %arg4[%dma_wait3A_29, %dma_wait3A_30] : memref<3276800x128xf32, #tpu.memory_space<hbm>> -> memref<128x128xf32, #tpu.memory_space<hbm>>
    tpu.wait_dma2 semaphore(%arg20 : memref<!tpu.dma_semaphore, #tpu.memory_space<semaphore_mem>>) src(%arg10 : memref<128x128xf32, #tpu.memory_space<vmem>>) dst(%dma_wait3A_31 : memref<128x128xf32, #tpu.memory_space<hbm>>)
    %dma_wait3A_32 = arith.constant 0 : i32
    %dma_wait3A_33 = arith.constant 0 : i32
    %dma_wait3A_34 = tpu.memref_slice %arg4[%dma_wait3A_32, %dma_wait3A_33] : memref<3276800x128xf32, #tpu.memory_space<hbm>> -> memref<128x128xf32, #tpu.memory_space<hbm>>
    %dma_wait3A_35 = arith.constant 0 : i32
    %dma_wait3A_36 = arith.constant 0 : i32
    %dma_wait3A_37 = tpu.memref_slice %arg4[%dma_wait3A_35, %dma_wait3A_36] : memref<3276800x128xf32, #tpu.memory_space<hbm>> -> memref<128x128xf32, #tpu.memory_space<hbm>>
    tpu.wait_dma2 semaphore(%arg21 : memref<!tpu.dma_semaphore, #tpu.memory_space<semaphore_mem>>) src(%arg11 : memref<128x128xf32, #tpu.memory_space<vmem>>) dst(%dma_wait3A_37 : memref<128x128xf32, #tpu.memory_space<hbm>>)
    %dma_wait3A_38 = arith.constant 0 : i32
    %dma_wait3A_39 = arith.constant 0 : i32
    %dma_wait3A_40 = tpu.memref_slice %arg4[%dma_wait3A_38, %dma_wait3A_39] : memref<3276800x128xf32, #tpu.memory_space<hbm>> -> memref<128x128xf32, #tpu.memory_space<hbm>>
    %dma_wait3A_41 = arith.constant 0 : i32
    %dma_wait3A_42 = arith.constant 0 : i32
    %dma_wait3A_43 = tpu.memref_slice %arg4[%dma_wait3A_41, %dma_wait3A_42] : memref<3276800x128xf32, #tpu.memory_space<hbm>> -> memref<128x128xf32, #tpu.memory_space<hbm>>
    tpu.wait_dma2 semaphore(%arg22 : memref<!tpu.dma_semaphore, #tpu.memory_space<semaphore_mem>>) src(%arg12 : memref<128x128xf32, #tpu.memory_space<vmem>>) dst(%dma_wait3A_43 : memref<128x128xf32, #tpu.memory_space<hbm>>)
    return
  }
}

</mosaic_0001>

<sc_bundles>
// kernel: _embed.3.cloned.1.call-start
scs
__scs_entry_jumppad:
0x0: {  	(pc) =	sbr.rel $0x88, $3  }
0x1: {  	(tag) =	ssettag $0x0;
	lr =	simm.s32 $0x1  }
0x2: {  	[smem:$0x3F9F] =	sst lr;
	_ =	strace $0xD0000000  }
0x3: {  	_ = 	snop  }
0x4: {  	_ = 	snop  }
0x5: {  	_ = 	snop  }
0x6: {  	_ = 	snop  }
0x7: {  	_ = 	snop  }
__scs_overlays_trampoline_lowered:
0x8: {  	[smem:$0x3FAE] =	sst s0  }
0x9: {  	[smem:$0x3FAF] =	sst s1  }
0xa: {  	[smem:$0x3FB0] =	sst s2  }
0xb: {  	[smem:$0x3FB1] =	sst s3  }
0xc: {  	[smem:$0x3FB2] =	sst s4  }
0xd: {  	[smem:$0x3FB3] =	sst s5  }
0xe: {  	[smem:$0x3FB4] =	sst s6  }
0xf: {  	[smem:$0x3FB5] =	sst s7  }
0x10: {  	[smem:$0x3FB6] =	sst s8  }
0x11: {  	[smem:$0x3FB7] =	sst s9;
	s0 =	simm.s32 @!p0 $0x0  }
0x12: {  	s1 =	sld [smem:$0x3F9D];
	s0 =	simm.s32 @p0 $0x1  }
0x13: {  	[smem:$0x3FB8] =	sst s0;
	s0 =	simm.s32 @!p1 $0x0  }
0x14: {  	s2 =	sld [smem:$0x3F9C];
	s0 =	simm.s32 @p1 $0x1  }
0x15: {  	[smem:$0x3FB9] =	sst s0;
	s0 =	simm.s32 @!p2 $0x0  }
0x16: {  	s3 =	sld [smem:$0x3FDB];
	s0 =	simm.s32 @p2 $0x1  }
0x17: {  	s4 =	simm.s32 $0x1BF5;
	[smem:$0x3FBB] =	sst s0  }
0x18: {  	s0 =	sld [smem:$0x3F9E];
	_ =	swait.ge [sflag:s4], $0x0  }
0x19: {  	s7 =	sld [smem:$0x3F9F]  }
0x1a: {  	s8 =	sadd.s32 $0xFFFFE003, lr  }
0x1b: {  	s9 =	sadd.s32 $0xFFFFFEF7, lr;
	s5 =	simm.s32 $0xFFFFFFFF;
	p2 =	slt.u32 s8, $0xFFFFF086  }
0x1c: {  	p1 =	slt.u32 s9, $0xF7A;
	s5 =	simm.s32 @!p2 $0x0  }
0x1d: {  	s5 =	simm.s32 @p1 $0x1;
	p0 =	seq.s32 s7, s2  }
0x1e: {  	s7 =	smul.u32 @!p0 $0xF7A, s2;
	p2 =	seq.s32 @!p0 s5, $0x0  }
0x1f: {  	s9 =	smul.u32 $0xF7A, s1;
	s8 =	simm.s32 @!p0 $0x1BF5;
	p2 =	por !p2, p0  }
0x20: {  	[sflag:s8] =	ssyncset.s32 @!p0 $0xFFFFF086;
	s6 =	sadd.s32 @!p0 s3, s7;
	s7 =	simm.s32 @!p0 $0x108  }
0x21: {  	s3 =	sadd.s32 s3, s9;
	s6 =	sadd.s32 @!p0 $0x88, s6;
	s7 =	simm.s32 @p2 $0x1082  }
0x22: {  	[simem:s7], [sflag:s8] =	dma.local @!p0 [hbm:s6], $0xF7A  }
0x23: {  	s9 =	sor.u32 $0xD0000000, s2;
	s6 =	simm.s32 $0x108;
	_ =	swait.ge @!p0 [sflag:s8], $0x0  }
0x24: {  	s3 =	sadd.s32 $0x88, s3;
	s6 =	simm.s32 @!p1 $0x1082;
	[sflag:s4] =	ssyncset.s32 $0xFFFFF086  }
0x25: {  	[simem:s6], [sflag:s4] =	dma.local [hbm:s3], $0xF7A  }
0x26: {  	[smem:$0x3F9F] =	sst s1;
	(tag) =	ssettag s2;
	_ =	strace s9  }
0x27: {  	s1 =	sld [smem:$0x3FAF]  }
0x28: {  	s2 =	sld [smem:$0x3FB0]  }
0x29: {  	s4 =	sld [smem:$0x3FB2]  }
0x2a: {  	p0 =	seq.s32 s5, $0x0;
	s5 =	sld [smem:$0x3FB3]  }
0x2b: {  	s6 =	sld [smem:$0x3FB4]  }
0x2c: {  	s7 =	sld [smem:$0x3FB5]  }
0x2d: {  	s3 =	simm.s32 $0x108;
	s8 =	sld [smem:$0x3FB6]  }
0x2e: {  	s3 =	simm.s32 @!p0 $0x1082;
	s9 =	sld [smem:$0x3FB7]  }
0x2f: {  	lr =	sadd.s32 s0, s3;
	s0 =	sld [smem:$0x3FAE]  }
0x30: {  	s3 =	sld [smem:$0x3FB1]  }
0x31: {  	[smem:$0x3FBA] =	sst s10  }
0x32: {  	s10 =	sld [smem:$0x3FB8];
	_ =	sdelay $0x3  }
0x33: {  	p0 =	seq.s32 s10, $0x1;
	s10 =	sld [smem:$0x3FBA];
	_ =	sdelay $0x3  }
0x34: {  	[smem:$0x3FBA] =	sst s10  }
0x35: {  	s10 =	sld [smem:$0x3FB9];
	_ =	sdelay $0x3  }
0x36: {  	p1 =	seq.s32 s10, $0x1;
	s10 =	sld [smem:$0x3FBA];
	_ =	sdelay $0x3  }
0x37: {  	[smem:$0x3FBA] =	sst s10  }
0x38: {  	s10 =	sld [smem:$0x3FBB]  }
0x39: {  	_ = 	snop;
	(pc) =	sbr.ind lr, $3  }
0x3a: {  	_ = 	snop  }
0x3b: {  	_ = 	snop  }
0x3c: {  	p2 =	seq.s32 s10, $0x1;
	s10 =	sld [smem:$0x3FBA]  }
0x3d: {  	_ =	shalt  }
0x3e: {  	_ =	shalt  }
0x3f: {  	_ =	shalt  }
0x40: {  	_ =	shalt  }
0x41: {  	_ =	shalt  }
0x42: {  	_ =	shalt  }
0x43: {  	_ =	shalt  }
0x44: {  	_ =	shalt  }
0x45: {  	_ =	shalt  }
0x46: {  	_ =	shalt  }
0x47: {  	_ =	shalt  }
0x48: {  	_ =	shalt  }
0x49: {  	_ =	shalt  }
0x4a: {  	_ =	shalt  }
0x4b: {  	_ =	shalt  }
0x4c: {  	_ =	shalt  }
0x4d: {  	_ =	shalt  }
0x4e: {  	_ =	shalt  }
0x4f: {  	_ =	shalt  }
0x50: {  	_ =	shalt  }
0x51: {  	_ =	shalt  }
0x52: {  	_ =	shalt  }
0x53: {  	_ =	shalt  }
0x54: {  	_ =	shalt  }
0x55: {  	_ =	shalt  }
0x56: {  	_ =	shalt  }
0x57: {  	_ =	shalt  }
0x58: {  	_ =	shalt  }
0x59: {  	_ =	shalt  }
0x5a: {  	_ =	shalt  }
0x5b: {  	_ =	shalt  }
0x5c: {  	_ =	shalt  }
0x5d: {  	_ =	shalt  }
0x5e: {  	_ =	shalt  }
0x5f: {  	_ =	shalt  }
0x60: {  	_ =	shalt  }
0x61: {  	_ =	shalt  }
0x62: {  	_ =	shalt  }
0x63: {  	_ =	shalt  }
0x64: {  	_ =	shalt  }
0x65: {  	_ =	shalt  }
0x66: {  	_ =	shalt  }
0x67: {  	_ =	shalt  }
0x68: {  	_ =	shalt  }
0x69: {  	_ =	shalt  }
0x6a: {  	_ =	shalt  }
0x6b: {  	_ =	shalt  }
0x6c: {  	_ =	shalt  }
0x6d: {  	_ =	shalt  }
0x6e: {  	_ =	shalt  }
0x6f: {  	_ =	shalt  }
0x70: {  	_ =	shalt  }
0x71: {  	_ =	shalt  }
0x72: {  	_ =	shalt  }
0x73: {  	_ =	shalt  }
0x74: {  	_ =	shalt  }
0x75: {  	_ =	shalt  }
0x76: {  	_ =	shalt  }
0x77: {  	_ =	shalt  }
0x78: {  	_ =	shalt  }
0x79: {  	_ =	shalt  }
0x7a: {  	_ =	shalt  }
0x7b: {  	_ =	shalt  }
0x7c: {  	_ =	shalt  }
0x7d: {  	_ =	shalt  }
0x7e: {  	_ =	shalt  }
0x7f: {  	_ =	shalt  }
0x80: {  	_ =	shalt  }
0x81: {  	_ =	shalt  }
0x82: {  	_ =	shalt  }
0x83: {  	_ =	shalt  }
0x84: {  	_ =	shalt  }
0x85: {  	_ =	shalt  }
0x86: {  	_ =	shalt  }
0x87: {  	_ =	shalt  }
.Lfunc_end0:
.L_simem_size_0:
called_computation_lowered:
.L_overlay_start_0:
0x88: {  	s2 =	sld [smem:$0x3FD9]  }
0x89: {  	s3 =	sld [smem:$0x3FFE];
	_ =	sdelay $0x1  }
0x8a: {  	s1 =	srdreg.scid  }
0x8b: {  	s0 =	sand.u32 $0x1, s1  }
0x8c: {  	s18 =	sshll.u32 s0, $0xA;
	s2 =	sadd.s32 s3, s2  }
0x8d: {  	s2 =	sadd.s32 s2, s18  }
0x8e: {  	[smem:$0x3FC6] =	sst s2  }
0x8f: {  	_ = 	snop  }
0x90: {  	s2 =	sld [smem:$0x3FC9]  }
0x91: {  	s19 =	sld [smem:$0x3FC8]  }
0x92: {  	s4 =	sld [smem:$0x3FD0];
	(tm) =	ssettm $0x1  }
0x93: {  	s5 =	sld [smem:$0x3FFB];
	_ =	sdelay $0x3  }
0x94: {  	_ =	strace s5  }
0x95: {  	s5 =	sld [smem:$0x3FFC];
	_ =	sdelay $0x3  }
0x96: {  	_ =	strace s5  }
0x97: {  	s5 =	sld [smem:$0x3FFD];
	_ =	sdelay $0x3  }
0x98: {  	_ =	strace s5  }
0x99: {  	_ =	strace $0x8FFFFFFF  }
0x9a: {  	s20 =	sld [smem:$0x3FDB];
	_ =	sdelay $0x1  }
0x9b: {  	s6 =	simm.s32 $_scs_section_size  }
0x9c: {  	s7 =	simm.s32 $_size__tile_overlayer_lowered;
	s8 =	simm.s32 $_tile_overlayer_lowered  }
0x9d: {  	s23 =	simm.s32 $0x1BFF;
	s22 =	sshll.u32 s8, $0x1;
	s5 =	sadd.s32 s6, s20  }
0x9e: {  	s9 =	simm.s32 $0x0;
	s21 =	sshll.u32 s7, $0x1;
	s7 =	sadd.s32 s22, s5  }
0x9f: {  	[timem:s9], [sflag:s23] =	dma.local [hbm:s7], s21  }
0xa0: {  	_ =	swait.ge [sflag:s23], s21  }
0xa1: {  	s6 =	ssub.s32 $0x0, s21;
	[sflag:s23] =	ssyncset.done $0x0  }
0xa2: {  	[sflag:s23] =	ssyncadd.s32 s6;
	_ =	sdelay $0x1  }
0xa3: {  	s24 =	simm.s32 $0x1B8B  }
0xa4: {  	_ =	swait.ge [sflag:s24], $0x1  }
0xa5: {  	[sflag:s24] =	ssyncset.done $0x0  }
0xa6: {  	s25 =	simm.s32 $0x1B8E;
	[sflag:s24] =	ssyncadd.s32 $0xFFFFFFFF  }
0xa7: {  	s26 =	simm.s32 $execute0_lowered;
	[smem:$0x3FD2] =	sst s25  }
0xa8: {  	s6 =	sshll.u32 s26, $0x1;
	_ =	strace $0x80000046;
	[dreg:$0x1] =	wrdreg $0xFFFFFFFF  }
0xa9: {  	s28 =	simm.s32 $_size_execute0_lowered;
	s5 =	sadd.s32 s5, s6;
	[dreg:$0x0] =	wrdreg $0x0  }
0xaa: {  	s6 =	sshll.u32 s28, $0x1;
	[dreg:$0x2] =	wrdreg s5  }
0xab: {  	[dreg:$0x3] =	wrdreg s6  }
0xac: {  	[dreg:$0x4] =	wrdreg $0xC0  }
0xad: {  	_ =	task [dreg:s9], $0x5FFFF  }
0xae: {  	[dreg:$0x1] =	wrdreg $0xFFFFFFFF  }
0xaf: {  	[dreg:$0x0] =	wrdreg $0x60  }
0xb0: {  	[dreg:$0x2] =	wrdreg s2  }
0xb1: {  	[dreg:$0x3] =	wrdreg s19  }
0xb2: {  	[dreg:$0x4] =	wrdreg s4  }
0xb3: {  	[dreg:$0x5] =	wrdreg $0x0  }
0xb4: {  	[dreg:$0x6] =	wrdreg $0x9  }
0xb5: {  	_ =	task.clear_ibuf [dreg:s9], $0x7FFFF;
	_ =	strace $0x90000046  }
0xb6: {  	s29 =	simm.s32 $0x9;
	_ =	strace $0x80000048  }
0xb7: {  	_ =	swait.ge [sflag:s29], $0x1  }
0xb8: {  	[sflag:s29] =	ssyncadd.s32 $0xFFFFFFFF  }
0xb9: {  	_ =	strace $0x90000048  }
0xba: {  	_ =	sfence  }
0xbb: {  	s30 =	sld [smem:$0x0];
	_ =	sdelay $0x2  }
0xbc: {  	s31 =	sshll.u32 s1, $0xD;
	s1 =	sshrl.u32 s1, $0x2  }
0xbd: {  	s3 =	sand.u32 $0x4000, s31;
	s1 =	sadd.s32 s1, s30  }
0xbe: {  	s0 =	sor.u32 s3, s0;
	s1 =	sshll.u32 s1, $0x11  }
0xbf: {  	s0 =	sor.u32 s1, s0  }
0xc0: {  	s0 =	sadd.s32 $0x8F2B, s0  }
0xc1: {  	[sflag:s0] =	ssyncadd.remote.s32 $0x1  }
0xc2: {  	_ =	sfence.sel $0xFFFF  }
0xc3: {  	[dreg:$0x0] =	wrdreg $0xFFFFFFFF;
	(pc) =	sbr.abs _section_cstart, $3  }
0xc4: {  	[dreg:$0x1] =	wrdreg $0xFFFFFFFF  }
0xc5: {  	_ =	task.clear_ibuf [dreg:s9], $0x2FFFF;
	_ =	strace $0x9FFFFFFF  }
0xc6: {  	(tm) =	ssettm $0x7FFFFFFF  }
0xc7: {  	_ =	shalt  }
tec
execute0_lowered:
.L_overlay_start_1:
0x0: {  	(tag) =	ssettag $0x1  }
0x1: {  	s0 =	rddreg [dreg:$0x0];
	s1 =	srdreg.scid  }
0x2: {  	s4 =	stileid.u32;
	s5 =	rddreg [dreg:$0x2]  }
0x3: {  	s2 =	rddreg [dreg:$0x3];
	s12 =	simm.s32 $0x220;
	s13 =	simm.s32 $0x2A0  }
0x4: {  	s14 =	simm.s32 $0x320;
	s15 =	simm.s32 $0x3A0;
	s16 =	simm.s32 $0x420  }
0x5: {  	s17 =	simm.s32 $0x4A0;
	s18 =	simm.s32 $0x5A0;
	s19 =	simm.s32 $0x620  }
0x6: {  	s20 =	simm.s32 $0x6A0;
	s21 =	simm.s32 $0x720;
	s22 =	simm.s32 $0x7A0  }
0x7: {  	s23 =	simm.s32 $0x820;
	s1 =	sand.u32 $0x1, s1;
	s3 =	sshll.u32 s4, $0x1  }
0x8: {  	s24 =	simm.s32 $0x8A0;
	s6 =	sor.u32 s1, s3;
	s3 =	simm.s32 $0x0  }
0x9: {  	s28 =	simm.s32 $0x9;
	s29 =	simm.s32 $0xA;
	[smem:$0x7FF] =	sst s3  }
0xa: {  	s7 =	smul.u32 $0x320000, s4;
	_ =	strace $0x80000047;
	[dreg:$0x8] =	wrdreg s12  }
0xb: {  	s30 =	simm.s32 $0xC;
	s9 =	smul.u32 $0x32000, s4;
	[dreg:$0x9] =	wrdreg s13  }
0xc: {  	s31 =	simm.s32 $0x0;
	s11 =	smul.u32 $0x19000, s1;
	[dreg:$0xa] =	wrdreg s14  }
0xd: {  	s8 =	ssub.s32 $0x2, s1;
	s1 =	smul.u32 $0x190000, s1;
	[dreg:$0xb] =	wrdreg s15  }
0xe: {  	p0 =	sne.s32 s4, $0x0;
	s6 =	smul.u32 $0x19000, s6;
	[dreg:$0xc] =	wrdreg s16  }
0xf: {  	s10 =	sshrl.u32 s8, $0x1;
	s5 =	sadd.s32 s7, s5;
	[dreg:$0xd] =	wrdreg s17  }
0x10: {  	s8 =	ssub.s32 s8, s10;
	s26 =	sadd.s32 s11, s9;
	[dreg:$0xe] =	wrdreg s18  }
0x11: {  	s1 =	sadd.s32 s1, s5;
	s10 =	simm.s32 $0x120;
	[dreg:$0xf] =	wrdreg s19  }
0x12: {  	s11 =	simm.s32 $0x1A0;
	s12 =	simm.s32 $0xA20;
	[dreg:$0x10] =	wrdreg s20  }
0x13: {  	s14 =	simm.s32 $0x4A20;
	s15 =	simm.s32 $0x520;
	[dreg:$0x11] =	wrdreg s21  }
0x14: {  	s16 =	simm.s32 $0x8A20;
	s17 =	simm.s32 $0x1;
	[dreg:$0x12] =	wrdreg s22  }
0x15: {  	s18 =	simm.s32 $0xCA20;
	s19 =	simm.s32 $0x2;
	[dreg:$0x13] =	wrdreg s23  }
0x16: {  	s20 =	simm.s32 $0x10A20;
	s21 =	simm.s32 $0x3;
	[dreg:$0x14] =	wrdreg s24  }
0x17: {  	s22 =	simm.s32 $0x6;
	s23 =	simm.s32 $0x4;
	[dreg:$0x5] =	wrdreg s1  }
0x18: {  	s24 =	simm.s32 $0x7;
	s6 =	sshrl.u32 s6, $0x3;
	[dreg:$0x6] =	wrdreg s10  }
0x19: {  	s25 =	smax.u32 s8, $0x1;
	s7 =	sor.u32 $0xA00, s26;
	[dreg:$0x7] =	wrdreg s11  }
0x1a: {  	s11 =	simm.s32 $0x80;
	s6 =	sadd.s32 s0, s6;
	[dreg:$0x18] =	wrdreg s25  }
0x1b: {  	s8 =	sshrl.u32 s7, $0x3;
	s25 =	simm.s32 $0x920;
	[dreg:$0x17] =	wrdreg s6  }
0x1c: {  	s6 =	sor.u32 $0x500, s26;
	s1 =	sadd.s32 s8, s0;
	[dreg:$0x15] =	wrdreg s25  }
0x1d: {  	s26 =	simm.s32 $0x9A0;
	s25 =	simm.s32 $0x5;
	[dreg:$0x19] =	wrdreg s1  }
0x1e: {  	s9 =	sshrl.u32 s6, $0x3;
	s1 =	sshrl.u32 @!p0 s2, $0x3;
	[dreg:$0x16] =	wrdreg s26  }
0x1f: {  	s26 =	simm.s32 $0x8;
	s7 =	sadd.s32 s9, s0;
	[dreg:$0x1a] =	wrdreg s1  }
.LBB2_1:
0x20: {  	s1 =	rddreg [dreg:$0x1]  }
0x21: {  	s0 =	simm.s32 @!p0 $0x1C0D;
	s4 =	rddreg [dreg:$0x1a]  }
0x22: {  	[spmem:s4], [sflag:s0] =	dma.local @!p0 [hbm:s1], $0x40  }
0x23: {  	s0 =	simm.s32 @!p0 $0xD  }
0x24: {  	_ =	swait.ge @!p0 [sflag:s0], $0x40  }
0x25: {  	[sflag:s0] =	ssyncset.done @!p0 $0x0  }
0x26: {  	[sflag:s0] =	ssyncadd.s32 @!p0 $0xFFFFFFC0  }
0x27: {  	[bflag:$0x0] =	sbarrier.arrive $0xFFFF  }
0x28: {  	s10 =	simm.s32 $0x20;
	s13 =	simm.s32 $0xB;
	s9 =	rddreg [dreg:$0x17]  }
0x29: {  	[tilespmem:s10], [sflag:$0xB] =	stream.linear.gather [hbm4b:s9+s3], $0x500, $0x38;
	[tilespmem:$0x14A20] =	vst v63  }
0x2a: {  	_ =	swait.ge [sflag:s13], $0x500  }
0x2b: {  	[sflag:s13] =	ssyncset.done $0x0  }
0x2c: {  	[sflag:s13] =	ssyncadd.s32 $0xFFFFFB00  }
0x2d: {  	[tilespmem:s12], [sflag:$0x1] =	stream.indirect.gather [spmem:s2], $0x80, s10, s11, $0xb8;
	[tilespmem:$0x14A20] =	vst v63  }
0x2e: {  	p1 =	por $0x1, $0x1;
	s1 =	simm.s32 $0xA0  }
0x2f: {  	[tilespmem:s14], [sflag:$0x2] =	stream.indirect.gather [spmem:s2], $0x80, s1, s11, $0xb8;
	[tilespmem:$0x14A20] =	vst v63  }
0x30: {  	s0 =	simm.s32 @!p1 $0x8  }
0x31: {  	[tilespmem:s15], [sflag:$0xC] =	stream.linear.gather [hbm4b:s7+s3], $0x500, $0x38;
	[tilespmem:$0x14A20] =	vst v63  }
0x32: {  	_ =	swait.ge @!p1 [sflag:s0], $0x4000  }
0x33: {  	[sflag:s0] =	ssyncset.done @!p1 $0x0  }
0x34: {  	s4 =	rddreg [dreg:$0x6];
	[sflag:s0] =	ssyncadd.s32 @!p1 $0xFFFFC000  }
0x35: {  	[tilespmem:s16], [sflag:$0x3] =	stream.indirect.gather [spmem:s2], $0x80, s4, s11, $0xb8;
	[tilespmem:$0x14A20] =	vst v63  }
0x36: {  	_ =	swait.ge [sflag:s17], $0x4000  }
0x37: {  	s5 =	rddreg [dreg:$0x5];
	[sflag:s17] =	ssyncset.done $0x0  }
0x38: {  	s1 =	simm.s32 @!p1 $0x9;
	[sflag:s17] =	ssyncadd.s32 $0xFFFFC000;
	s0 =	sadd.s32 $0x0, s5  }
0x39: {  	[hbm4b:s0+s3] =	stream.linear.scatter [tilespmem:s12], [sflag:$0x6], $0x4000, $0x38;
	[tilespmem:$0x14A20] =	vst v63  }
0x3a: {  	_ =	swait.ge @!p1 [sflag:s1], $0x4000  }
0x3b: {  	[sflag:s1] =	ssyncset.done @!p1 $0x0  }
0x3c: {  	s6 =	rddreg [dreg:$0x7];
	[sflag:s1] =	ssyncadd.s32 @!p1 $0xFFFFC000  }
0x3d: {  	[tilespmem:s18], [sflag:$0x4] =	stream.indirect.gather [spmem:s2], $0x80, s6, s11, $0xb8;
	[tilespmem:$0x14A20] =	vst v63  }
0x3e: {  	_ =	swait.ge [sflag:s19], $0x4000  }
0x3f: {  	[sflag:s19] =	ssyncset.done $0x0  }
0x40: {  	s4 =	simm.s32 @!p1 $0xA;
	s8 =	sadd.s32 $0x800, s0;
	[sflag:s19] =	ssyncadd.s32 $0xFFFFC000  }
0x41: {  	[hbm4b:s8+s3] =	stream.linear.scatter [tilespmem:s14], [sflag:$0x7], $0x4000, $0x38;
	[tilespmem:$0x14A20] =	vst v63  }
0x42: {  	_ =	swait.ge @!p1 [sflag:s4], $0x4000  }
0x43: {  	[sflag:s4] =	ssyncset.done @!p1 $0x0  }
0x44: {  	s9 =	rddreg [dreg:$0x8];
	[sflag:s4] =	ssyncadd.s32 @!p1 $0xFFFFC000  }
0x45: {  	[tilespmem:s20], [sflag:$0x5] =	stream.indirect.gather [spmem:s2], $0x80, s9, s11, $0xb8;
	[tilespmem:$0x14A20] =	vst v63  }
0x46: {  	_ =	swait.ge [sflag:s21], $0x4000  }
0x47: {  	[sflag:s21] =	ssyncset.done $0x0  }
0x48: {  	s10 =	sadd.s32 $0x1000, s0;
	[sflag:s21] =	ssyncadd.s32 $0xFFFFC000  }
0x49: {  	[hbm4b:s10+s3] =	stream.linear.scatter [tilespmem:s16], [sflag:$0x8], $0x4000, $0x38;
	[tilespmem:$0x14A20] =	vst v63  }
0x4a: {  	_ =	swait.ge [sflag:s22], $0x4000  }
0x4b: {  	[sflag:s22] =	ssyncset.done $0x0  }
0x4c: {  	s13 =	rddreg [dreg:$0x9];
	[sflag:s22] =	ssyncadd.s32 $0xFFFFC000  }
0x4d: {  	[tilespmem:s12], [sflag:$0x1] =	stream.indirect.gather [spmem:s2], $0x80, s13, s11, $0xb8;
	[tilespmem:$0x14A20] =	vst v63  }
0x4e: {  	_ =	swait.ge [sflag:s23], $0x4000  }
0x4f: {  	[sflag:s23] =	ssyncset.done $0x0  }
0x50: {  	s4 =	sadd.s32 $0x1800, s0;
	[sflag:s23] =	ssyncadd.s32 $0xFFFFC000  }
0x51: {  	[hbm4b:s4+s3] =	stream.linear.scatter [tilespmem:s18], [sflag:$0x9], $0x4000, $0x38;
	[tilespmem:$0x14A20] =	vst v63  }
0x52: {  	_ =	swait.ge [sflag:s24], $0x4000  }
0x53: {  	[sflag:s24] =	ssyncset.done $0x0  }
0x54: {  	s5 =	rddreg [dreg:$0xa];
	[sflag:s24] =	ssyncadd.s32 $0xFFFFC000  }
0x55: {  	[tilespmem:s14], [sflag:$0x2] =	stream.indirect.gather [spmem:s2], $0x80, s5, s11, $0xb8;
	[tilespmem:$0x14A20] =	vst v63  }
0x56: {  	_ =	swait.ge [sflag:s25], $0x4000  }
0x57: {  	[sflag:s25] =	ssyncset.done $0x0  }
0x58: {  	s6 =	sadd.s32 $0x2000, s0;
	[sflag:s25] =	ssyncadd.s32 $0xFFFFC000  }
0x59: {  	[hbm4b:s6+s3] =	stream.linear.scatter [tilespmem:s20], [sflag:$0xA], $0x4000, $0x38;
	[tilespmem:$0x14A20] =	vst v63  }
0x5a: {  	_ =	swait.ge [sflag:s26], $0x4000  }
0x5b: {  	[sflag:s26] =	ssyncset.done $0x0  }
0x5c: {  	s8 =	rddreg [dreg:$0xb];
	[sflag:s26] =	ssyncadd.s32 $0xFFFFC000  }
0x5d: {  	[tilespmem:s16], [sflag:$0x3] =	stream.indirect.gather [spmem:s2], $0x80, s8, s11, $0xb8;
	[tilespmem:$0x14A20] =	vst v63  }
0x5e: {  	_ =	swait.ge [sflag:s17], $0x4000  }
0x5f: {  	[sflag:s17] =	ssyncset.done $0x0  }
0x60: {  	s9 =	sadd.s32 $0x2800, s0;
	[sflag:s17] =	ssyncadd.s32 $0xFFFFC000  }
0x61: {  	[hbm4b:s9+s3] =	stream.linear.scatter [tilespmem:s12], [sflag:$0x6], $0x4000, $0x38;
	[tilespmem:$0x14A20] =	vst v63  }
0x62: {  	_ =	swait.ge [sflag:s28], $0x4000  }
0x63: {  	[sflag:s28] =	ssyncset.done $0x0  }
0x64: {  	s10 =	rddreg [dreg:$0xc];
	[sflag:s28] =	ssyncadd.s32 $0xFFFFC000  }
0x65: {  	[tilespmem:s18], [sflag:$0x4] =	stream.indirect.gather [spmem:s2], $0x80, s10, s11, $0xb8;
	[tilespmem:$0x14A20] =	vst v63  }
0x66: {  	_ =	swait.ge [sflag:s19], $0x4000  }
0x67: {  	[sflag:s19] =	ssyncset.done $0x0  }
0x68: {  	s13 =	sadd.s32 $0x3000, s0;
	[sflag:s19] =	ssyncadd.s32 $0xFFFFC000  }
0x69: {  	[hbm4b:s13+s3] =	stream.linear.scatter [tilespmem:s14], [sflag:$0x7], $0x4000, $0x38;
	[tilespmem:$0x14A20] =	vst v63  }
0x6a: {  	_ =	swait.ge [sflag:s29], $0x4000  }
0x6b: {  	[sflag:s29] =	ssyncset.done $0x0  }
0x6c: {  	s4 =	rddreg [dreg:$0xd];
	[sflag:s29] =	ssyncadd.s32 $0xFFFFC000  }
0x6d: {  	[tilespmem:s20], [sflag:$0x5] =	stream.indirect.gather [spmem:s2], $0x80, s4, s11, $0xb8;
	[tilespmem:$0x14A20] =	vst v63  }
0x6e: {  	_ =	swait.ge [sflag:s21], $0x4000  }
0x6f: {  	[sflag:s21] =	ssyncset.done $0x0  }
0x70: {  	s5 =	sadd.s32 $0x3800, s0;
	[sflag:s21] =	ssyncadd.s32 $0xFFFFC000  }
0x71: {  	[hbm4b:s5+s3] =	stream.linear.scatter [tilespmem:s16], [sflag:$0x8], $0x4000, $0x38;
	[tilespmem:$0x14A20] =	vst v63  }
0x72: {  	_ =	swait.ge [sflag:s22], $0x4000  }
0x73: {  	[sflag:s22] =	ssyncset.done $0x0  }
0x74: {  	[sflag:s22] =	ssyncadd.s32 $0xFFFFC000  }
0x75: {  	_ =	swait.ge [sflag:s30], $0x500  }
0x76: {  	[sflag:s30] =	ssyncset.done $0x0  }
0x77: {  	[sflag:s30] =	ssyncadd.s32 $0xFFFFFB00  }
0x78: {  	[tilespmem:s12], [sflag:$0x1] =	stream.indirect.gather [spmem:s2], $0x80, s15, s11, $0xb8;
	[tilespmem:$0x14A20] =	vst v63  }
0x79: {  	_ =	swait.ge [sflag:s23], $0x4000  }
0x7a: {  	[sflag:s23] =	ssyncset.done $0x0  }
0x7b: {  	s6 =	sadd.s32 $0x4000, s0;
	[sflag:s23] =	ssyncadd.s32 $0xFFFFC000  }
0x7c: {  	[hbm4b:s6+s3] =	stream.linear.scatter [tilespmem:s18], [sflag:$0x9], $0x4000, $0x38;
	[tilespmem:$0x14A20] =	vst v63  }
0x7d: {  	_ =	swait.ge [sflag:s24], $0x4000  }
0x7e: {  	[sflag:s24] =	ssyncset.done $0x0  }
0x7f: {  	s8 =	rddreg [dreg:$0xe];
	[sflag:s24] =	ssyncadd.s32 $0xFFFFC000  }
0x80: {  	[tilespmem:s14], [sflag:$0x2] =	stream.indirect.gather [spmem:s2], $0x80, s8, s11, $0xb8;
	[tilespmem:$0x14A20] =	vst v63  }
0x81: {  	_ =	swait.ge [sflag:s25], $0x4000  }
0x82: {  	[sflag:s25] =	ssyncset.done $0x0  }
0x83: {  	p1 =	por $0x0, $0x0;
	s9 =	sadd.s32 $0x4800, s0;
	[sflag:s25] =	ssyncadd.s32 $0xFFFFC000  }
0x84: {  	[hbm4b:s9+s3] =	stream.linear.scatter [tilespmem:s20], [sflag:$0xA], $0x4000, $0x38;
	[tilespmem:$0x14A20] =	vst v63  }
0x85: {  	s1 =	simm.s32 @!p1 $0x20;
	s4 =	simm.s32 @!p1 $0x0;
	s6 =	rddreg [dreg:$0x19]  }
0x86: {  	[tilespmem:s1], [sflag:$0xB] =	stream.linear.gather @!p1 [hbm4b:s6+s4], $0x500, $0x38;
	[tilespmem:$0x14A20] =	vst v63  }
0x87: {  	_ =	swait.ge [sflag:s26], $0x4000  }
0x88: {  	[sflag:s26] =	ssyncset.done $0x0  }
0x89: {  	s10 =	rddreg [dreg:$0xf];
	[sflag:s26] =	ssyncadd.s32 $0xFFFFC000  }
0x8a: {  	[tilespmem:s16], [sflag:$0x3] =	stream.indirect.gather [spmem:s2], $0x80, s10, s11, $0xb8;
	[tilespmem:$0x14A20] =	vst v63  }
0x8b: {  	_ =	swait.ge [sflag:s17], $0x4000  }
0x8c: {  	[sflag:s17] =	ssyncset.done $0x0  }
0x8d: {  	s13 =	sadd.s32 $0x5000, s0;
	[sflag:s17] =	ssyncadd.s32 $0xFFFFC000  }
0x8e: {  	[hbm4b:s13+s3] =	stream.linear.scatter [tilespmem:s12], [sflag:$0x6], $0x4000, $0x38;
	[tilespmem:$0x14A20] =	vst v63  }
0x8f: {  	_ =	swait.ge [sflag:s28], $0x4000  }
0x90: {  	[sflag:s28] =	ssyncset.done $0x0  }
0x91: {  	s5 =	rddreg [dreg:$0x10];
	[sflag:s28] =	ssyncadd.s32 $0xFFFFC000  }
0x92: {  	[tilespmem:s18], [sflag:$0x4] =	stream.indirect.gather [spmem:s2], $0x80, s5, s11, $0xb8;
	[tilespmem:$0x14A20] =	vst v63  }
0x93: {  	_ =	swait.ge [sflag:s19], $0x4000  }
0x94: {  	[sflag:s19] =	ssyncset.done $0x0  }
0x95: {  	s8 =	sadd.s32 $0x5800, s0;
	[sflag:s19] =	ssyncadd.s32 $0xFFFFC000  }
0x96: {  	[hbm4b:s8+s3] =	stream.linear.scatter [tilespmem:s14], [sflag:$0x7], $0x4000, $0x38;
	[tilespmem:$0x14A20] =	vst v63  }
0x97: {  	_ =	swait.ge [sflag:s29], $0x4000  }
0x98: {  	[sflag:s29] =	ssyncset.done $0x0  }
0x99: {  	s9 =	rddreg [dreg:$0x11];
	[sflag:s29] =	ssyncadd.s32 $0xFFFFC000  }
0x9a: {  	[tilespmem:s20], [sflag:$0x5] =	stream.indirect.gather [spmem:s2], $0x80, s9, s11, $0xb8;
	[tilespmem:$0x14A20] =	vst v63  }
0x9b: {  	_ =	swait.ge [sflag:s21], $0x4000  }
0x9c: {  	[sflag:s21] =	ssyncset.done $0x0  }
0x9d: {  	s10 =	sadd.s32 $0x6000, s0;
	[sflag:s21] =	ssyncadd.s32 $0xFFFFC000  }
0x9e: {  	[hbm4b:s10+s3] =	stream.linear.scatter [tilespmem:s16], [sflag:$0x8], $0x4000, $0x38;
	[tilespmem:$0x14A20] =	vst v63  }
0x9f: {  	_ =	swait.ge [sflag:s22], $0x4000  }
0xa0: {  	[sflag:s22] =	ssyncset.done $0x0  }
0xa1: {  	s13 =	rddreg [dreg:$0x12];
	[sflag:s22] =	ssyncadd.s32 $0xFFFFC000  }
0xa2: {  	[tilespmem:s12], [sflag:$0x1] =	stream.indirect.gather [spmem:s2], $0x80, s13, s11, $0xb8;
	[tilespmem:$0x14A20] =	vst v63  }
0xa3: {  	_ =	swait.ge [sflag:s23], $0x4000  }
0xa4: {  	[sflag:s23] =	ssyncset.done $0x0  }
0xa5: {  	s5 =	sadd.s32 $0x6800, s0;
	[sflag:s23] =	ssyncadd.s32 $0xFFFFC000  }
0xa6: {  	[hbm4b:s5+s3] =	stream.linear.scatter [tilespmem:s18], [sflag:$0x9], $0x4000, $0x38;
	[tilespmem:$0x14A20] =	vst v63  }
0xa7: {  	_ =	swait.ge [sflag:s24], $0x4000  }
0xa8: {  	[sflag:s24] =	ssyncset.done $0x0  }
0xa9: {  	s8 =	rddreg [dreg:$0x13];
	[sflag:s24] =	ssyncadd.s32 $0xFFFFC000  }
0xaa: {  	[tilespmem:s14], [sflag:$0x2] =	stream.indirect.gather [spmem:s2], $0x80, s8, s11, $0xb8;
	[tilespmem:$0x14A20] =	vst v63  }
0xab: {  	_ =	swait.ge [sflag:s25], $0x4000  }
0xac: {  	[sflag:s25] =	ssyncset.done $0x0  }
0xad: {  	s9 =	sadd.s32 $0x7000, s0;
	[sflag:s25] =	ssyncadd.s32 $0xFFFFC000  }
0xae: {  	[hbm4b:s9+s3] =	stream.linear.scatter [tilespmem:s20], [sflag:$0xA], $0x4000, $0x38;
	[tilespmem:$0x14A20] =	vst v63  }
0xaf: {  	_ =	swait.ge [sflag:s26], $0x4000  }
0xb0: {  	[sflag:s26] =	ssyncset.done $0x0  }
0xb1: {  	s10 =	rddreg [dreg:$0x14];
	[sflag:s26] =	ssyncadd.s32 $0xFFFFC000  }
0xb2: {  	[tilespmem:s16], [sflag:$0x3] =	stream.indirect.gather [spmem:s2], $0x80, s10, s11, $0xb8;
	[tilespmem:$0x14A20] =	vst v63  }
0xb3: {  	_ =	swait.ge [sflag:s17], $0x4000  }
0xb4: {  	[sflag:s17] =	ssyncset.done $0x0  }
0xb5: {  	s13 =	sadd.s32 $0x7800, s0;
	[sflag:s17] =	ssyncadd.s32 $0xFFFFC000  }
0xb6: {  	[hbm4b:s13+s3] =	stream.linear.scatter [tilespmem:s12], [sflag:$0x6], $0x4000, $0x38;
	[tilespmem:$0x14A20] =	vst v63  }
0xb7: {  	_ =	swait.ge [sflag:s28], $0x4000  }
0xb8: {  	[sflag:s28] =	ssyncset.done $0x0  }
0xb9: {  	s5 =	rddreg [dreg:$0x15];
	[sflag:s28] =	ssyncadd.s32 $0xFFFFC000  }
0xba: {  	[tilespmem:s18], [sflag:$0x4] =	stream.indirect.gather [spmem:s2], $0x80, s5, s11, $0xb8;
	[tilespmem:$0x14A20] =	vst v63  }
0xbb: {  	_ =	swait.ge [sflag:s19], $0x4000  }
0xbc: {  	[sflag:s19] =	ssyncset.done $0x0  }
0xbd: {  	s8 =	sadd.s32 $0x8000, s0;
	[sflag:s19] =	ssyncadd.s32 $0xFFFFC000  }
0xbe: {  	[hbm4b:s8+s3] =	stream.linear.scatter [tilespmem:s14], [sflag:$0x7], $0x4000, $0x38;
	[tilespmem:$0x14A20] =	vst v63  }
0xbf: {  	_ =	swait.ge [sflag:s29], $0x4000  }
0xc0: {  	[sflag:s29] =	ssyncset.done $0x0  }
0xc1: {  	s9 =	rddreg [dreg:$0x16];
	[sflag:s29] =	ssyncadd.s32 $0xFFFFC000  }
0xc2: {  	[tilespmem:s20], [sflag:$0x5] =	stream.indirect.gather [spmem:s2], $0x80, s9, s11, $0xb8;
	[tilespmem:$0x14A20] =	vst v63  }
0xc3: {  	_ =	swait.ge [sflag:s21], $0x4000  }
0xc4: {  	[sflag:s21] =	ssyncset.done $0x0  }
0xc5: {  	s10 =	sadd.s32 $0x8800, s0;
	[sflag:s21] =	ssyncadd.s32 $0xFFFFC000  }
0xc6: {  	[hbm4b:s10+s3] =	stream.linear.scatter [tilespmem:s16], [sflag:$0x8], $0x4000, $0x38;
	[tilespmem:$0x14A20] =	vst v63  }
0xc7: {  	_ =	swait.ge [sflag:s22], $0x4000  }
0xc8: {  	[sflag:s22] =	ssyncset.done $0x0  }
0xc9: {  	s4 =	simm.s32 @!p1 $0xB;
	[sflag:s22] =	ssyncadd.s32 $0xFFFFC000  }
0xca: {  	_ =	swait.ge @!p1 [sflag:s4], $0x500  }
0xcb: {  	[sflag:s4] =	ssyncset.done @!p1 $0x0  }
0xcc: {  	s5 =	simm.s32 @!p1 $0x80;
	[sflag:s4] =	ssyncadd.s32 @!p1 $0xFFFFFB00;
	s4 =	simm.s32 @!p1 $0xA20  }
0xcd: {  	[tilespmem:s4], [sflag:$0x1] =	stream.indirect.gather @!p1 [spmem:s2], $0x80, s1, s5, $0xb8;
	[tilespmem:$0x14A20] =	vst v63  }
0xce: {  	_ =	swait.ge [sflag:s23], $0x4000  }
0xcf: {  	[sflag:s23] =	ssyncset.done $0x0  }
0xd0: {  	s13 =	sadd.s32 $0x9000, s0;
	[sflag:s23] =	ssyncadd.s32 $0xFFFFC000  }
0xd1: {  	[hbm4b:s13+s3] =	stream.linear.scatter [tilespmem:s18], [sflag:$0x9], $0x4000, $0x38;
	[tilespmem:$0x14A20] =	vst v63  }
0xd2: {  	_ =	swait.ge [sflag:s24], $0x4000  }
0xd3: {  	[sflag:s24] =	ssyncset.done $0x0  }
0xd4: {  	s1 =	simm.s32 @!p1 $0xA0;
	s4 =	simm.s32 @!p1 $0x4A20;
	[sflag:s24] =	ssyncadd.s32 $0xFFFFC000  }
0xd5: {  	[tilespmem:s4], [sflag:$0x2] =	stream.indirect.gather @!p1 [spmem:s2], $0x80, s1, s5, $0xb8;
	[tilespmem:$0x14A20] =	vst v63  }
0xd6: {  	s13 =	sadd.s32 $0x140, s7;
	s1 =	simm.s32 $0xA000  }
0xd7: {  	s4 =	sadd.s32 $0x9800, s0;
	s0 =	sadd.s32 $0x140, s6;
	_ =	swait.ge [sflag:s25], $0x4000  }
.LBB2_2:
0xd8: {  	[sflag:s25] =	ssyncset.done $0x0  }
0xd9: {  	p2 =	seq.s32 s1, $0x0;
	[sflag:s25] =	ssyncadd.s32 $0xFFFFC000  }
0xda: {  	[hbm4b:s4+s3] =	stream.linear.scatter [tilespmem:s20], [sflag:$0xA], $0x4000, $0x38;
	[tilespmem:$0x14A20] =	vst v63  }
0xdb: {  	s4 =	simm.s32 @!p2 $0x8  }
0xdc: {  	[tilespmem:s15], [sflag:$0xC] =	stream.linear.gather [hbm4b:s13+s3], $0x500, $0x38;
	[tilespmem:$0x14A20] =	vst v63  }
0xdd: {  	_ =	swait.ge @!p2 [sflag:s4], $0x4000  }
0xde: {  	[sflag:s4] =	ssyncset.done @!p2 $0x0  }
0xdf: {  	s5 =	rddreg [dreg:$0x6];
	[sflag:s4] =	ssyncadd.s32 @!p2 $0xFFFFC000  }
0xe0: {  	[tilespmem:s16], [sflag:$0x3] =	stream.indirect.gather [spmem:s2], $0x80, s5, s11, $0xb8;
	[tilespmem:$0x14A20] =	vst v63  }
0xe1: {  	_ =	swait.ge [sflag:s17], $0x4000  }
0xe2: {  	s9 =	smov.u32 s1;
	[sflag:s17] =	ssyncset.done $0x0;
	s5 =	rddreg [dreg:$0x5]  }
0xe3: {  	s8 =	simm.s32 @!p2 $0x9;
	[sflag:s17] =	ssyncadd.s32 $0xFFFFC000;
	s5 =	sadd.s32 s9, s5  }
0xe4: {  	[hbm4b:s5+s3] =	stream.linear.scatter [tilespmem:s12], [sflag:$0x6], $0x4000, $0x38;
	[tilespmem:$0x14A20] =	vst v63  }
0xe5: {  	_ =	swait.ge @!p2 [sflag:s8], $0x4000  }
0xe6: {  	[sflag:s8] =	ssyncset.done @!p2 $0x0  }
0xe7: {  	s10 =	rddreg [dreg:$0x7];
	[sflag:s8] =	ssyncadd.s32 @!p2 $0xFFFFC000  }
0xe8: {  	[tilespmem:s18], [sflag:$0x4] =	stream.indirect.gather [spmem:s2], $0x80, s10, s11, $0xb8;
	[tilespmem:$0x14A20] =	vst v63  }
0xe9: {  	_ =	swait.ge [sflag:s19], $0x4000  }
0xea: {  	[sflag:s19] =	ssyncset.done $0x0  }
0xeb: {  	s6 =	sadd.s32 $0x800, s5;
	s10 =	simm.s32 @!p2 $0xA;
	[sflag:s19] =	ssyncadd.s32 $0xFFFFC000  }
0xec: {  	[hbm4b:s6+s3] =	stream.linear.scatter [tilespmem:s14], [sflag:$0x7], $0x4000, $0x38;
	[tilespmem:$0x14A20] =	vst v63  }
0xed: {  	_ =	swait.ge @!p2 [sflag:s10], $0x4000  }
0xee: {  	[sflag:s10] =	ssyncset.done @!p2 $0x0  }
0xef: {  	s6 =	rddreg [dreg:$0x8];
	[sflag:s10] =	ssyncadd.s32 @!p2 $0xFFFFC000  }
0xf0: {  	[tilespmem:s20], [sflag:$0x5] =	stream.indirect.gather [spmem:s2], $0x80, s6, s11, $0xb8;
	[tilespmem:$0x14A20] =	vst v63  }
0xf1: {  	_ =	swait.ge [sflag:s21], $0x4000  }
0xf2: {  	[sflag:s21] =	ssyncset.done $0x0  }
0xf3: {  	s10 =	sadd.s32 $0x1000, s5;
	[sflag:s21] =	ssyncadd.s32 $0xFFFFC000  }
0xf4: {  	[hbm4b:s10+s3] =	stream.linear.scatter [tilespmem:s16], [sflag:$0x8], $0x4000, $0x38;
	[tilespmem:$0x14A20] =	vst v63  }
0xf5: {  	_ =	swait.ge [sflag:s22], $0x4000  }
0xf6: {  	[sflag:s22] =	ssyncset.done $0x0  }
0xf7: {  	s6 =	rddreg [dreg:$0x9];
	[sflag:s22] =	ssyncadd.s32 $0xFFFFC000  }
0xf8: {  	[tilespmem:s12], [sflag:$0x1] =	stream.indirect.gather [spmem:s2], $0x80, s6, s11, $0xb8;
	[tilespmem:$0x14A20] =	vst v63  }
0xf9: {  	_ =	swait.ge [sflag:s23], $0x4000  }
0xfa: {  	[sflag:s23] =	ssyncset.done $0x0  }
0xfb: {  	s10 =	sadd.s32 $0x1800, s5;
	[sflag:s23] =	ssyncadd.s32 $0xFFFFC000  }
0xfc: {  	[hbm4b:s10+s3] =	stream.linear.scatter [tilespmem:s18], [sflag:$0x9], $0x4000, $0x38;
	[tilespmem:$0x14A20] =	vst v63  }
0xfd: {  	_ =	swait.ge [sflag:s24], $0x4000  }
0xfe: {  	[sflag:s24] =	ssyncset.done $0x0  }
0xff: {  	s6 =	rddreg [dreg:$0xa];
	[sflag:s24] =	ssyncadd.s32 $0xFFFFC000  }
0x100: {  	[tilespmem:s14], [sflag:$0x2] =	stream.indirect.gather [spmem:s2], $0x80, s6, s11, $0xb8;
	[tilespmem:$0x14A20] =	vst v63  }
0x101: {  	_ =	swait.ge [sflag:s25], $0x4000  }
0x102: {  	[sflag:s25] =	ssyncset.done $0x0  }
0x103: {  	s10 =	sadd.s32 $0x2000, s5;
	[sflag:s25] =	ssyncadd.s32 $0xFFFFC000  }
0x104: {  	[hbm4b:s10+s3] =	stream.linear.scatter [tilespmem:s20], [sflag:$0xA], $0x4000, $0x38;
	[tilespmem:$0x14A20] =	vst v63  }
0x105: {  	_ =	swait.ge [sflag:s26], $0x4000  }
0x106: {  	[sflag:s26] =	ssyncset.done $0x0  }
0x107: {  	s6 =	rddreg [dreg:$0xb];
	[sflag:s26] =	ssyncadd.s32 $0xFFFFC000  }
0x108: {  	[tilespmem:s16], [sflag:$0x3] =	stream.indirect.gather [spmem:s2], $0x80, s6, s11, $0xb8;
	[tilespmem:$0x14A20] =	vst v63  }
0x109: {  	_ =	swait.ge [sflag:s17], $0x4000  }
0x10a: {  	[sflag:s17] =	ssyncset.done $0x0  }
0x10b: {  	s10 =	sadd.s32 $0x2800, s5;
	[sflag:s17] =	ssyncadd.s32 $0xFFFFC000  }
0x10c: {  	[hbm4b:s10+s3] =	stream.linear.scatter [tilespmem:s12], [sflag:$0x6], $0x4000, $0x38;
	[tilespmem:$0x14A20] =	vst v63  }
0x10d: {  	_ =	swait.ge [sflag:s28], $0x4000  }
0x10e: {  	[sflag:s28] =	ssyncset.done $0x0  }
0x10f: {  	s6 =	rddreg [dreg:$0xc];
	[sflag:s28] =	ssyncadd.s32 $0xFFFFC000  }
0x110: {  	[tilespmem:s18], [sflag:$0x4] =	stream.indirect.gather [spmem:s2], $0x80, s6, s11, $0xb8;
	[tilespmem:$0x14A20] =	vst v63  }
0x111: {  	_ =	swait.ge [sflag:s19], $0x4000  }
0x112: {  	[sflag:s19] =	ssyncset.done $0x0  }
0x113: {  	s10 =	sadd.s32 $0x3000, s5;
	[sflag:s19] =	ssyncadd.s32 $0xFFFFC000  }
0x114: {  	[hbm4b:s10+s3] =	stream.linear.scatter [tilespmem:s14], [sflag:$0x7], $0x4000, $0x38;
	[tilespmem:$0x14A20] =	vst v63  }
0x115: {  	_ =	swait.ge [sflag:s29], $0x4000  }
0x116: {  	[sflag:s29] =	ssyncset.done $0x0  }
0x117: {  	s6 =	rddreg [dreg:$0xd];
	[sflag:s29] =	ssyncadd.s32 $0xFFFFC000  }
0x118: {  	[tilespmem:s20], [sflag:$0x5] =	stream.indirect.gather [spmem:s2], $0x80, s6, s11, $0xb8;
	[tilespmem:$0x14A20] =	vst v63  }
0x119: {  	_ =	swait.ge [sflag:s21], $0x4000  }
0x11a: {  	[sflag:s21] =	ssyncset.done $0x0  }
0x11b: {  	s10 =	sadd.s32 $0x3800, s5;
	[sflag:s21] =	ssyncadd.s32 $0xFFFFC000  }
0x11c: {  	[hbm4b:s10+s3] =	stream.linear.scatter [tilespmem:s16], [sflag:$0x8], $0x4000, $0x38;
	[tilespmem:$0x14A20] =	vst v63  }
0x11d: {  	_ =	swait.ge [sflag:s22], $0x4000  }
0x11e: {  	[sflag:s22] =	ssyncset.done $0x0  }
0x11f: {  	[sflag:s22] =	ssyncadd.s32 $0xFFFFC000  }
0x120: {  	_ =	swait.ge [sflag:s30], $0x500  }
0x121: {  	[sflag:s30] =	ssyncset.done $0x0  }
0x122: {  	[sflag:s30] =	ssyncadd.s32 $0xFFFFFB00  }
0x123: {  	[tilespmem:s12], [sflag:$0x1] =	stream.indirect.gather [spmem:s2], $0x80, s15, s11, $0xb8;
	[tilespmem:$0x14A20] =	vst v63  }
0x124: {  	_ =	swait.ge [sflag:s23], $0x4000  }
0x125: {  	[sflag:s23] =	ssyncset.done $0x0  }
0x126: {  	s6 =	sadd.s32 $0x4000, s5;
	[sflag:s23] =	ssyncadd.s32 $0xFFFFC000  }
0x127: {  	[hbm4b:s6+s3] =	stream.linear.scatter [tilespmem:s18], [sflag:$0x9], $0x4000, $0x38;
	[tilespmem:$0x14A20] =	vst v63  }
0x128: {  	_ =	swait.ge [sflag:s24], $0x4000  }
0x129: {  	[sflag:s24] =	ssyncset.done $0x0  }
0x12a: {  	s10 =	rddreg [dreg:$0xe];
	[sflag:s24] =	ssyncadd.s32 $0xFFFFC000  }
0x12b: {  	[tilespmem:s14], [sflag:$0x2] =	stream.indirect.gather [spmem:s2], $0x80, s10, s11, $0xb8;
	[tilespmem:$0x14A20] =	vst v63  }
0x12c: {  	_ =	swait.ge [sflag:s25], $0x4000  }
0x12d: {  	[sflag:s25] =	ssyncset.done $0x0  }
0x12e: {  	p2 =	seq.s32 s9, $0x186000;
	s6 =	sadd.s32 $0x4800, s5;
	[sflag:s25] =	ssyncadd.s32 $0xFFFFC000  }
0x12f: {  	[hbm4b:s6+s3] =	stream.linear.scatter [tilespmem:s20], [sflag:$0xA], $0x4000, $0x38;
	[tilespmem:$0x14A20] =	vst v63  }
0x130: {  	s9 =	simm.s32 @!p2 $0x20;
	s10 =	simm.s32 @!p2 $0x0  }
0x131: {  	[tilespmem:s9], [sflag:$0xB] =	stream.linear.gather @!p2 [hbm4b:s0+s10], $0x500, $0x38;
	[tilespmem:$0x14A20] =	vst v63  }
0x132: {  	_ =	swait.ge [sflag:s26], $0x4000  }
0x133: {  	[sflag:s26] =	ssyncset.done $0x0  }
0x134: {  	s6 =	rddreg [dreg:$0xf];
	[sflag:s26] =	ssyncadd.s32 $0xFFFFC000  }
0x135: {  	[tilespmem:s16], [sflag:$0x3] =	stream.indirect.gather [spmem:s2], $0x80, s6, s11, $0xb8;
	[tilespmem:$0x14A20] =	vst v63  }
0x136: {  	_ =	swait.ge [sflag:s17], $0x4000  }
0x137: {  	[sflag:s17] =	ssyncset.done $0x0  }
0x138: {  	s10 =	sadd.s32 $0x5000, s5;
	[sflag:s17] =	ssyncadd.s32 $0xFFFFC000  }
0x139: {  	[hbm4b:s10+s3] =	stream.linear.scatter [tilespmem:s12], [sflag:$0x6], $0x4000, $0x38;
	[tilespmem:$0x14A20] =	vst v63  }
0x13a: {  	_ =	swait.ge [sflag:s28], $0x4000  }
0x13b: {  	[sflag:s28] =	ssyncset.done $0x0  }
0x13c: {  	s6 =	rddreg [dreg:$0x10];
	[sflag:s28] =	ssyncadd.s32 $0xFFFFC000  }
0x13d: {  	[tilespmem:s18], [sflag:$0x4] =	stream.indirect.gather [spmem:s2], $0x80, s6, s11, $0xb8;
	[tilespmem:$0x14A20] =	vst v63  }
0x13e: {  	_ =	swait.ge [sflag:s19], $0x4000  }
0x13f: {  	[sflag:s19] =	ssyncset.done $0x0  }
0x140: {  	s10 =	sadd.s32 $0x5800, s5;
	[sflag:s19] =	ssyncadd.s32 $0xFFFFC000  }
0x141: {  	[hbm4b:s10+s3] =	stream.linear.scatter [tilespmem:s14], [sflag:$0x7], $0x4000, $0x38;
	[tilespmem:$0x14A20] =	vst v63  }
0x142: {  	_ =	swait.ge [sflag:s29], $0x4000  }
0x143: {  	[sflag:s29] =	ssyncset.done $0x0  }
0x144: {  	s6 =	rddreg [dreg:$0x11];
	[sflag:s29] =	ssyncadd.s32 $0xFFFFC000  }
0x145: {  	[tilespmem:s20], [sflag:$0x5] =	stream.indirect.gather [spmem:s2], $0x80, s6, s11, $0xb8;
	[tilespmem:$0x14A20] =	vst v63  }
0x146: {  	_ =	swait.ge [sflag:s21], $0x4000  }
0x147: {  	[sflag:s21] =	ssyncset.done $0x0  }
0x148: {  	s10 =	sadd.s32 $0x6000, s5;
	[sflag:s21] =	ssyncadd.s32 $0xFFFFC000  }
0x149: {  	[hbm4b:s10+s3] =	stream.linear.scatter [tilespmem:s16], [sflag:$0x8], $0x4000, $0x38;
	[tilespmem:$0x14A20] =	vst v63  }
0x14a: {  	_ =	swait.ge [sflag:s22], $0x4000  }
0x14b: {  	[sflag:s22] =	ssyncset.done $0x0  }
0x14c: {  	s6 =	rddreg [dreg:$0x12];
	[sflag:s22] =	ssyncadd.s32 $0xFFFFC000  }
0x14d: {  	[tilespmem:s12], [sflag:$0x1] =	stream.indirect.gather [spmem:s2], $0x80, s6, s11, $0xb8;
	[tilespmem:$0x14A20] =	vst v63  }
0x14e: {  	_ =	swait.ge [sflag:s23], $0x4000  }
0x14f: {  	[sflag:s23] =	ssyncset.done $0x0  }
0x150: {  	s10 =	sadd.s32 $0x6800, s5;
	[sflag:s23] =	ssyncadd.s32 $0xFFFFC000  }
0x151: {  	[hbm4b:s10+s3] =	stream.linear.scatter [tilespmem:s18], [sflag:$0x9], $0x4000, $0x38;
	[tilespmem:$0x14A20] =	vst v63  }
0x152: {  	_ =	swait.ge [sflag:s24], $0x4000  }
0x153: {  	[sflag:s24] =	ssyncset.done $0x0  }
0x154: {  	s6 =	rddreg [dreg:$0x13];
	[sflag:s24] =	ssyncadd.s32 $0xFFFFC000  }
0x155: {  	[tilespmem:s14], [sflag:$0x2] =	stream.indirect.gather [spmem:s2], $0x80, s6, s11, $0xb8;
	[tilespmem:$0x14A20] =	vst v63  }
0x156: {  	_ =	swait.ge [sflag:s25], $0x4000  }
0x157: {  	[sflag:s25] =	ssyncset.done $0x0  }
0x158: {  	s10 =	sadd.s32 $0x7000, s5;
	[sflag:s25] =	ssyncadd.s32 $0xFFFFC000  }
0x159: {  	[hbm4b:s10+s3] =	stream.linear.scatter [tilespmem:s20], [sflag:$0xA], $0x4000, $0x38;
	[tilespmem:$0x14A20] =	vst v63  }
0x15a: {  	_ =	swait.ge [sflag:s26], $0x4000  }
0x15b: {  	[sflag:s26] =	ssyncset.done $0x0  }
0x15c: {  	s6 =	rddreg [dreg:$0x14];
	[sflag:s26] =	ssyncadd.s32 $0xFFFFC000  }
0x15d: {  	[tilespmem:s16], [sflag:$0x3] =	stream.indirect.gather [spmem:s2], $0x80, s6, s11, $0xb8;
	[tilespmem:$0x14A20] =	vst v63  }
0x15e: {  	_ =	swait.ge [sflag:s17], $0x4000  }
0x15f: {  	[sflag:s17] =	ssyncset.done $0x0  }
0x160: {  	s10 =	sadd.s32 $0x7800, s5;
	[sflag:s17] =	ssyncadd.s32 $0xFFFFC000  }
0x161: {  	[hbm4b:s10+s3] =	stream.linear.scatter [tilespmem:s12], [sflag:$0x6], $0x4000, $0x38;
	[tilespmem:$0x14A20] =	vst v63  }
0x162: {  	_ =	swait.ge [sflag:s28], $0x4000  }
0x163: {  	[sflag:s28] =	ssyncset.done $0x0  }
0x164: {  	s6 =	rddreg [dreg:$0x15];
	[sflag:s28] =	ssyncadd.s32 $0xFFFFC000  }
0x165: {  	[tilespmem:s18], [sflag:$0x4] =	stream.indirect.gather [spmem:s2], $0x80, s6, s11, $0xb8;
	[tilespmem:$0x14A20] =	vst v63  }
0x166: {  	_ =	swait.ge [sflag:s19], $0x4000  }
0x167: {  	[sflag:s19] =	ssyncset.done $0x0  }
0x168: {  	s10 =	sadd.s32 $0x8000, s5;
	[sflag:s19] =	ssyncadd.s32 $0xFFFFC000  }
0x169: {  	[hbm4b:s10+s3] =	stream.linear.scatter [tilespmem:s14], [sflag:$0x7], $0x4000, $0x38;
	[tilespmem:$0x14A20] =	vst v63  }
0x16a: {  	_ =	swait.ge [sflag:s29], $0x4000  }
0x16b: {  	[sflag:s29] =	ssyncset.done $0x0  }
0x16c: {  	s6 =	rddreg [dreg:$0x16];
	[sflag:s29] =	ssyncadd.s32 $0xFFFFC000  }
0x16d: {  	[tilespmem:s20], [sflag:$0x5] =	stream.indirect.gather [spmem:s2], $0x80, s6, s11, $0xb8;
	[tilespmem:$0x14A20] =	vst v63  }
0x16e: {  	_ =	swait.ge [sflag:s21], $0x4000  }
0x16f: {  	[sflag:s21] =	ssyncset.done $0x0  }
0x170: {  	s10 =	sadd.s32 $0x8800, s5;
	[sflag:s21] =	ssyncadd.s32 $0xFFFFC000  }
0x171: {  	[hbm4b:s10+s3] =	stream.linear.scatter [tilespmem:s16], [sflag:$0x8], $0x4000, $0x38;
	[tilespmem:$0x14A20] =	vst v63  }
0x172: {  	_ =	swait.ge [sflag:s22], $0x4000  }
0x173: {  	[sflag:s22] =	ssyncset.done $0x0  }
0x174: {  	s8 =	simm.s32 @!p2 $0xB;
	[sflag:s22] =	ssyncadd.s32 $0xFFFFC000  }
0x175: {  	_ =	swait.ge @!p2 [sflag:s8], $0x500  }
0x176: {  	[sflag:s8] =	ssyncset.done @!p2 $0x0  }
0x177: {  	s6 =	simm.s32 @!p2 $0xA20;
	s10 =	simm.s32 @!p2 $0x80;
	[sflag:s8] =	ssyncadd.s32 @!p2 $0xFFFFFB00  }
0x178: {  	[tilespmem:s6], [sflag:$0x1] =	stream.indirect.gather @!p2 [spmem:s2], $0x80, s9, s10, $0xb8;
	[tilespmem:$0x14A20] =	vst v63  }
0x179: {  	s1 =	sadd.s32 $0xA000, s1;
	_ =	swait.ge [sflag:s23], $0x4000  }
0x17a: {  	p1 =	sne.s32 s1, $0x190000;
	[sflag:s23] =	ssyncset.done $0x0  }
0x17b: {  	s4 =	sadd.s32 $0x9800, s5;
	s5 =	sadd.s32 $0x9000, s5;
	[sflag:s23] =	ssyncadd.s32 $0xFFFFC000  }
0x17c: {  	[hbm4b:s5+s3] =	stream.linear.scatter [tilespmem:s18], [sflag:$0x9], $0x4000, $0x38;
	[tilespmem:$0x14A20] =	vst v63  }
.Ltmp0:
0x17d: {  	_ =	swait.ge [sflag:s24], $0x4000;
	(pc) =	sbr.rel @p1 .LBB2_2-.Ltmp0, $4  }
0x17e: {  	[sflag:s24] =	ssyncset.done $0x0  }
0x17f: {  	s6 =	simm.s32 @!p2 $0x4A20;
	s5 =	simm.s32 @!p2 $0xA0;
	[sflag:s24] =	ssyncadd.s32 $0xFFFFC000  }
0x180: {  	[tilespmem:s6], [sflag:$0x2] =	stream.indirect.gather @!p2 [spmem:s2], $0x80, s5, s10, $0xb8;
	[tilespmem:$0x14A20] =	vst v63  }
0x181: {  	s13 =	sadd.s32 $0x140, s13;
	s0 =	sadd.s32 $0x140, s0;
	_ =	swait.ge [sflag:s25], $0x4000  }
0x182: {  	[sflag:s25] =	ssyncset.done $0x0  }
0x183: {  	[sflag:s25] =	ssyncadd.s32 $0xFFFFC000  }
0x184: {  	[hbm4b:s4+s3] =	stream.linear.scatter [tilespmem:s20], [sflag:$0xA], $0x4000, $0x38;
	[tilespmem:$0x14A20] =	vst v63  }
0x185: {  	_ =	swait.ge [sflag:s26], $0x4000  }
0x186: {  	[sflag:s26] =	ssyncset.done $0x0  }
0x187: {  	[sflag:s26] =	ssyncadd.s32 $0xFFFFC000  }
0x188: {  	_ =	swait.ge [sflag:s28], $0x4000  }
0x189: {  	[sflag:s28] =	ssyncset.done $0x0  }
0x18a: {  	[sflag:s28] =	ssyncadd.s32 $0xFFFFC000  }
0x18b: {  	_ =	swait.ge [sflag:s29], $0x4000  }
0x18c: {  	s31 =	sadd.s32 $0x1, s31;
	s0 =	rddreg [dreg:$0x18]  }
0x18d: {  	p1 =	sne.s32 s31, s0  }
.Ltmp1:
0x18e: {  	_ = 	snop;
	(pc) =	sbr.rel @p1 .LBB2_1-.Ltmp1, $3  }
0x18f: {  	_ =	sdelay $0x1  }
0x190: {  	[sflag:s29] =	ssyncset.done $0x0  }
0x191: {  	[sflag:s29] =	ssyncadd.s32 $0xFFFFC000  }
0x192: {  	_ =	sfence.sel $0x180000  }
0x193: {  	[bflag:$0x0] =	sbarrier.arrive $0xFFFF  }
0x194: {  	_ =	strace $0x90000047  }
0x195: {  	[bflag:$0x2] =	sbarrier.arrive $0xFFFF  }
0x196: {  	s0 =	rddreg [dreg:$0x4]  }
0x197: {  	s0 =	sadd.s32 @!p0 $0x100000, s0  }
0x198: {  	[sflag:s0] =	ssyncadd.tile.s32 @!p0 $0x1;
	_ =	shalt  }
.Lfunc_end2:
_tile_overlayer_lowered:
.L_overlay_start_2:
0x199: {  	(tag) =	ssettag $0x2  }
0x19a: {  	s0 =	rddreg [dreg:$0x0];
	s2 =	stileid.u32  }
0x19b: {  	s1 =	rddreg [dreg:$0x1];
	p0 =	sne.s32 s2, $0x0  }
0x19c: {  	s3 =	rddreg [dreg:$0x2];
	[bflag:$0x3] =	sbarrier.arrive $0xFFFF;
	s2 =	simm.s32 @!p0 $0x1C0D  }
0x19d: {  	[timem:s3], [sflag:s2] =	dma.local @!p0 [hbm:s0], s1  }
0x19e: {  	s0 =	simm.s32 @!p0 $0xD  }
0x19f: {  	_ =	swait.ge @!p0 [sflag:s0], s1  }
0x1a0: {  	s1 =	ssub.s32 @!p0 $0x0, s1;
	[sflag:s0] =	ssyncset.done @!p0 $0x0  }
0x1a1: {  	[sflag:s0] =	ssyncadd.s32 @!p0 s1  }
0x1a2: {  	[bflag:$0x3] =	sbarrier.arrive $0xFFFF  }
0x1a3: {  	_ =	shalt  }

</sc_bundles>
